<compile_context>
chip_gen: v7x
topology: tpu7x:2x2x1
jax: 0.10.2.dev20260603
libtpu: 0.0.44.dev20260713+nightly
codegen_flags: <defaults>
</compile_context>

<pallas_src>
import functools

import jax
import jax.numpy as jnp
from jax import lax
from jax.experimental import pallas as pl
from jax.experimental.pallas import tpu as pltpu
from jax.experimental.pallas import tpu_sc as plsc

_INFO = plsc.get_sparse_core_info()
_NC = _INFO.num_cores
_NS = _INFO.num_subcores
_NW = _NC * _NS


@functools.cache
def _make_gather(B, D):
    b_per_w = B // _NW
    CH = 16
    NBUF = 7
    n_ch = b_per_w // CH
    mesh = plsc.VectorSubcoreMesh(core_axis_name="c", subcore_axis_name="s")

    @functools.partial(
        pl.kernel,
        mesh=mesh,
        out_type=jax.ShapeDtypeStruct((B, D), jnp.float32),
        scratch_types=[
            pltpu.VMEM((b_per_w,), jnp.int32),
            pltpu.VMEM((NBUF, CH, D), jnp.float32),
        ]
        + [pltpu.SemaphoreType.DMA] * (2 * NBUF),
    )
    def gather_kernel(idx_hbm, table_hbm, out_hbm, idx_v, bufs, *sems):
        gs, ss = sems[:NBUF], sems[NBUF:]
        wid = lax.axis_index("s") * _NC + lax.axis_index("c")
        base = wid * b_per_w
        pltpu.sync_copy(idx_hbm.at[pl.ds(base, b_per_w)], idx_v)

        def gather(j, b):
            return pltpu.async_copy(
                table_hbm.at[idx_v.at[pl.ds(j * CH, CH)]], bufs.at[b], gs[b]
            )

        def store(j, b):
            return pltpu.async_copy(
                bufs.at[b], out_hbm.at[pl.ds(base + j * CH, CH)], ss[b]
            )

        gh, sh = {}, {}
        for b in range(min(NBUF, n_ch)):
            gh[b] = gather(b, b)
        for j in range(n_ch):
            b = j % NBUF
            gh[b].wait()
            sh[b] = store(j, b)
            nxt = j + NBUF
            if nxt < n_ch:
                sh[b].wait()
                gh[b] = gather(nxt, b)
        for k in range(max(0, n_ch - NBUF), n_ch):
            sh[k % NBUF].wait()

    return gather_kernel


def kernel(seq_len, table):
    V, D = table.shape
    idx = jnp.arange(V, dtype=jnp.int32) % jnp.asarray(seq_len, jnp.int32)
    return _make_gather(V, D)(idx, table)

# --- scband reference (transcript-rebuilt; emitter-appended) ---
"""Pipeline reference for scband-positional-embeddings-62732292325707 (READ-ONLY COPY).

The authoritative reference and input builder live on the scoring server;
editing this copy changes nothing except your own understanding.
"""

import jax, jax.numpy as jnp
import numpy as np

MAX_SEQ_LEN = 8192
EMB_SIZE = 1024

def setup_inputs(seed: int = 0) -> dict:
    key = jax.random.key(seed)
    k_table, = jax.random.split(key, 1)
    table = jax.random.normal(k_table, (MAX_SEQ_LEN, EMB_SIZE), dtype=jnp.float32)
    seq_len = 8192  # python int, matches forward(seq_len: int)
    return {"seq_len": seq_len, "table": table}

def reference(seq_len, table):
    # torch: id_pos = torch.arange(seq_len); return self.embedding(id_pos)
    id_pos = jnp.arange(table.shape[0]) % seq_len
    return jnp.take(table, id_pos, axis=0)

if __name__ == "__main__":
    import jax
    _d = setup_inputs()
    print(jax.jit(kernel)(*tuple(_d.values())))

</pallas_src>

<mosaic_0001>
#map = affine_map<(d0, d1) -> (0)>
#map1 = affine_map<(d0, d1) -> (0, 0)>
module attributes {stable_mosaic.version = 14 : i64} {
  func.func @gather_kernel(%arg0: i32, %arg1: i32, %arg2: memref<8192xi32, #tpu.memory_space<hbm>>, %arg3: memref<8192x1024xf32, #tpu.memory_space<hbm>>, %arg4: memref<8192x1024xf32, #tpu.memory_space<hbm>>, %arg5: memref<256xi32, #tpu.memory_space<vmem>>, %arg6: memref<7x16x1024xf32, #tpu.memory_space<vmem>>, %arg7: memref<!tpu.dma_semaphore, #tpu.memory_space<semaphore_mem>>, %arg8: memref<!tpu.dma_semaphore, #tpu.memory_space<semaphore_mem>>, %arg9: memref<!tpu.dma_semaphore, #tpu.memory_space<semaphore_mem>>, %arg10: memref<!tpu.dma_semaphore, #tpu.memory_space<semaphore_mem>>, %arg11: memref<!tpu.dma_semaphore, #tpu.memory_space<semaphore_mem>>, %arg12: memref<!tpu.dma_semaphore, #tpu.memory_space<semaphore_mem>>, %arg13: memref<!tpu.dma_semaphore, #tpu.memory_space<semaphore_mem>>, %arg14: memref<!tpu.dma_semaphore, #tpu.memory_space<semaphore_mem>>, %arg15: memref<!tpu.dma_semaphore, #tpu.memory_space<semaphore_mem>>, %arg16: memref<!tpu.dma_semaphore, #tpu.memory_space<semaphore_mem>>, %arg17: memref<!tpu.dma_semaphore, #tpu.memory_space<semaphore_mem>>, %arg18: memref<!tpu.dma_semaphore, #tpu.memory_space<semaphore_mem>>, %arg19: memref<!tpu.dma_semaphore, #tpu.memory_space<semaphore_mem>>, %arg20: memref<!tpu.dma_semaphore, #tpu.memory_space<semaphore_mem>>) attributes {dimension_semantics = [#tpu.dimension_semantics<core_parallel>, #tpu.dimension_semantics<subcore_parallel>], iteration_bounds = array<i64: 2, 16>, scalar_prefetch = 0 : i64, scratch_operands = 16 : i64, tpu.core_type = #tpu.core_type<sc_vector_subcore>, window_params = [{transform_indices = #map}, {transform_indices = #map1}, {transform_indices = #map1}]} {
    %mul3A = arith.constant 2 : i32
    %mul3A_0 = arith.muli %arg1, %mul3A : i32
    %add3A = arith.addi %mul3A_0, %arg0 : i32
    %mul3A_1 = arith.constant 256 : i32
    %mul3A_2 = arith.muli %add3A, %mul3A_1 : i32
    "tpu.region"() ({
      %run_scoped3A = tpu.sem_alloc : memref<!tpu.dma_semaphore, #tpu.memory_space<semaphore_mem>>
      %dma_start3A_769 = tpu.memref_slice %arg2[%mul3A_2] : memref<8192xi32, #tpu.memory_space<hbm>> -> memref<256xi32, #tpu.memory_space<hbm>>
      %dma_start3A_770 = tpu.memref_slice %arg2[%mul3A_2] : memref<8192xi32, #tpu.memory_space<hbm>> -> memref<256xi32, #tpu.memory_space<hbm>>
      tpu.enqueue_dma source(%dma_start3A_770 : memref<256xi32, #tpu.memory_space<hbm>>) target(%arg5 : memref<256xi32, #tpu.memory_space<vmem>>) target_semaphore(%run_scoped3A : memref<!tpu.dma_semaphore, #tpu.memory_space<semaphore_mem>>)
      %dma_wait3A_771 = tpu.memref_slice %arg2[%mul3A_2] : memref<8192xi32, #tpu.memory_space<hbm>> -> memref<256xi32, #tpu.memory_space<hbm>>
      %dma_wait3A_772 = tpu.memref_slice %arg2[%mul3A_2] : memref<8192xi32, #tpu.memory_space<hbm>> -> memref<256xi32, #tpu.memory_space<hbm>>
      tpu.wait_dma2 semaphore(%run_scoped3A : memref<!tpu.dma_semaphore, #tpu.memory_space<semaphore_mem>>) src(%dma_wait3A_772 : memref<256xi32, #tpu.memory_space<hbm>>) dst(%arg5 : memref<256xi32, #tpu.memory_space<vmem>>)
      tpu.yield
    }) : () -> ()
    %dma_start3A = arith.constant 0 : i32
    %dma_start3A_3 = arith.constant 0 : i32
    %dma_start3A_4 = arith.constant 0 : i32
    %dma_start3A_5 = tpu.memref_slice %arg6[%dma_start3A, %dma_start3A_3, %dma_start3A_4] : memref<7x16x1024xf32, #tpu.memory_space<vmem>> -> memref<1x16x1024xf32, #tpu.memory_space<vmem>>
    %dma_start3A_6 = tpu.memref_squeeze %dma_start3A_5 : memref<1x16x1024xf32, #tpu.memory_space<vmem>> -> memref<16x1024xf32, #tpu.memory_space<vmem>>
    %dma_start3A_7 = arith.constant 0 : i32
    %dma_start3A_8 = tpu.memref_slice %arg5[%dma_start3A_7] : memref<256xi32, #tpu.memory_space<vmem>> -> memref<16xi32, #tpu.memory_space<vmem>>
    %dma_start3A_9 = arith.constant 0 : i32
    %dma_start3A_10 = arith.constant 0 : i32
    %dma_start3A_11 = tpu.memref_slice %arg3[%dma_start3A_9, %dma_start3A_10] : memref<8192x1024xf32, #tpu.memory_space<hbm>> -> memref<8192x1024xf32, #tpu.memory_space<hbm>>
    tpu.enqueue_indirect_dma source(%dma_start3A_11 : memref<8192x1024xf32, #tpu.memory_space<hbm>>) target(%dma_start3A_6 : memref<16x1024xf32, #tpu.memory_space<vmem>>) offsets(%dma_start3A_8 : memref<16xi32, #tpu.memory_space<vmem>>) semaphore(%arg7 : memref<!tpu.dma_semaphore, #tpu.memory_space<semaphore_mem>>)
    %dma_start3A_12 = arith.constant 1 : i32
    %dma_start3A_13 = arith.constant 0 : i32
    %dma_start3A_14 = arith.constant 0 : i32
    %dma_start3A_15 = tpu.memref_slice %arg6[%dma_start3A_12, %dma_start3A_13, %dma_start3A_14] : memref<7x16x1024xf32, #tpu.memory_space<vmem>> -> memref<1x16x1024xf32, #tpu.memory_space<vmem>>
    %dma_start3A_16 = tpu.memref_squeeze %dma_start3A_15 : memref<1x16x1024xf32, #tpu.memory_space<vmem>> -> memref<16x1024xf32, #tpu.memory_space<vmem>>
    %dma_start3A_17 = arith.constant 16 : i32
    %dma_start3A_18 = tpu.memref_slice %arg5[%dma_start3A_17] : memref<256xi32, #tpu.memory_space<vmem>> -> memref<16xi32, #tpu.memory_space<vmem>>
    %dma_start3A_19 = arith.constant 0 : i32
    %dma_start3A_20 = arith.constant 0 : i32
    %dma_start3A_21 = tpu.memref_slice %arg3[%dma_start3A_19, %dma_start3A_20] : memref<8192x1024xf32, #tpu.memory_space<hbm>> -> memref<8192x1024xf32, #tpu.memory_space<hbm>>
    tpu.enqueue_indirect_dma source(%dma_start3A_21 : memref<8192x1024xf32, #tpu.memory_space<hbm>>) target(%dma_start3A_16 : memref<16x1024xf32, #tpu.memory_space<vmem>>) offsets(%dma_start3A_18 : memref<16xi32, #tpu.memory_space<vmem>>) semaphore(%arg8 : memref<!tpu.dma_semaphore, #tpu.memory_space<semaphore_mem>>)
    %dma_start3A_22 = arith.constant 2 : i32
    %dma_start3A_23 = arith.constant 0 : i32
    %dma_start3A_24 = arith.constant 0 : i32
    %dma_start3A_25 = tpu.memref_slice %arg6[%dma_start3A_22, %dma_start3A_23, %dma_start3A_24] : memref<7x16x1024xf32, #tpu.memory_space<vmem>> -> memref<1x16x1024xf32, #tpu.memory_space<vmem>>
    %dma_start3A_26 = tpu.memref_squeeze %dma_start3A_25 : memref<1x16x1024xf32, #tpu.memory_space<vmem>> -> memref<16x1024xf32, #tpu.memory_space<vmem>>
    %dma_start3A_27 = arith.constant 32 : i32
    %dma_start3A_28 = tpu.memref_slice %arg5[%dma_start3A_27] : memref<256xi32, #tpu.memory_space<vmem>> -> memref<16xi32, #tpu.memory_space<vmem>>
    %dma_start3A_29 = arith.constant 0 : i32
    %dma_start3A_30 = arith.constant 0 : i32
    %dma_start3A_31 = tpu.memref_slice %arg3[%dma_start3A_29, %dma_start3A_30] : memref<8192x1024xf32, #tpu.memory_space<hbm>> -> memref<8192x1024xf32, #tpu.memory_space<hbm>>
    tpu.enqueue_indirect_dma source(%dma_start3A_31 : memref<8192x1024xf32, #tpu.memory_space<hbm>>) target(%dma_start3A_26 : memref<16x1024xf32, #tpu.memory_space<vmem>>) offsets(%dma_start3A_28 : memref<16xi32, #tpu.memory_space<vmem>>) semaphore(%arg9 : memref<!tpu.dma_semaphore, #tpu.memory_space<semaphore_mem>>)
    %dma_start3A_32 = arith.constant 3 : i32
    %dma_start3A_33 = arith.constant 0 : i32
    %dma_start3A_34 = arith.constant 0 : i32
    %dma_start3A_35 = tpu.memref_slice %arg6[%dma_start3A_32, %dma_start3A_33, %dma_start3A_34] : memref<7x16x1024xf32, #tpu.memory_space<vmem>> -> memref<1x16x1024xf32, #tpu.memory_space<vmem>>
    %dma_start3A_36 = tpu.memref_squeeze %dma_start3A_35 : memref<1x16x1024xf32, #tpu.memory_space<vmem>> -> memref<16x1024xf32, #tpu.memory_space<vmem>>
    %dma_start3A_37 = arith.constant 48 : i32
    %dma_start3A_38 = tpu.memref_slice %arg5[%dma_start3A_37] : memref<256xi32, #tpu.memory_space<vmem>> -> memref<16xi32, #tpu.memory_space<vmem>>
    %dma_start3A_39 = arith.constant 0 : i32
    %dma_start3A_40 = arith.constant 0 : i32
    %dma_start3A_41 = tpu.memref_slice %arg3[%dma_start3A_39, %dma_start3A_40] : memref<8192x1024xf32, #tpu.memory_space<hbm>> -> memref<8192x1024xf32, #tpu.memory_space<hbm>>
    tpu.enqueue_indirect_dma source(%dma_start3A_41 : memref<8192x1024xf32, #tpu.memory_space<hbm>>) target(%dma_start3A_36 : memref<16x1024xf32, #tpu.memory_space<vmem>>) offsets(%dma_start3A_38 : memref<16xi32, #tpu.memory_space<vmem>>) semaphore(%arg10 : memref<!tpu.dma_semaphore, #tpu.memory_space<semaphore_mem>>)
    %dma_start3A_42 = arith.constant 4 : i32
    %dma_start3A_43 = arith.constant 0 : i32
    %dma_start3A_44 = arith.constant 0 : i32
    %dma_start3A_45 = tpu.memref_slice %arg6[%dma_start3A_42, %dma_start3A_43, %dma_start3A_44] : memref<7x16x1024xf32, #tpu.memory_space<vmem>> -> memref<1x16x1024xf32, #tpu.memory_space<vmem>>
    %dma_start3A_46 = tpu.memref_squeeze %dma_start3A_45 : memref<1x16x1024xf32, #tpu.memory_space<vmem>> -> memref<16x1024xf32, #tpu.memory_space<vmem>>
    %dma_start3A_47 = arith.constant 64 : i32
    %dma_start3A_48 = tpu.memref_slice %arg5[%dma_start3A_47] : memref<256xi32, #tpu.memory_space<vmem>> -> memref<16xi32, #tpu.memory_space<vmem>>
    %dma_start3A_49 = arith.constant 0 : i32
    %dma_start3A_50 = arith.constant 0 : i32
    %dma_start3A_51 = tpu.memref_slice %arg3[%dma_start3A_49, %dma_start3A_50] : memref<8192x1024xf32, #tpu.memory_space<hbm>> -> memref<8192x1024xf32, #tpu.memory_space<hbm>>
    tpu.enqueue_indirect_dma source(%dma_start3A_51 : memref<8192x1024xf32, #tpu.memory_space<hbm>>) target(%dma_start3A_46 : memref<16x1024xf32, #tpu.memory_space<vmem>>) offsets(%dma_start3A_48 : memref<16xi32, #tpu.memory_space<vmem>>) semaphore(%arg11 : memref<!tpu.dma_semaphore, #tpu.memory_space<semaphore_mem>>)
    %dma_start3A_52 = arith.constant 5 : i32
    %dma_start3A_53 = arith.constant 0 : i32
    %dma_start3A_54 = arith.constant 0 : i32
    %dma_start3A_55 = tpu.memref_slice %arg6[%dma_start3A_52, %dma_start3A_53, %dma_start3A_54] : memref<7x16x1024xf32, #tpu.memory_space<vmem>> -> memref<1x16x1024xf32, #tpu.memory_space<vmem>>
    %dma_start3A_56 = tpu.memref_squeeze %dma_start3A_55 : memref<1x16x1024xf32, #tpu.memory_space<vmem>> -> memref<16x1024xf32, #tpu.memory_space<vmem>>
    %dma_start3A_57 = arith.constant 80 : i32
    %dma_start3A_58 = tpu.memref_slice %arg5[%dma_start3A_57] : memref<256xi32, #tpu.memory_space<vmem>> -> memref<16xi32, #tpu.memory_space<vmem>>
    %dma_start3A_59 = arith.constant 0 : i32
    %dma_start3A_60 = arith.constant 0 : i32
    %dma_start3A_61 = tpu.memref_slice %arg3[%dma_start3A_59, %dma_start3A_60] : memref<8192x1024xf32, #tpu.memory_space<hbm>> -> memref<8192x1024xf32, #tpu.memory_space<hbm>>
    tpu.enqueue_indirect_dma source(%dma_start3A_61 : memref<8192x1024xf32, #tpu.memory_space<hbm>>) target(%dma_start3A_56 : memref<16x1024xf32, #tpu.memory_space<vmem>>) offsets(%dma_start3A_58 : memref<16xi32, #tpu.memory_space<vmem>>) semaphore(%arg12 : memref<!tpu.dma_semaphore, #tpu.memory_space<semaphore_mem>>)
    %dma_start3A_62 = arith.constant 6 : i32
    %dma_start3A_63 = arith.constant 0 : i32
    %dma_start3A_64 = arith.constant 0 : i32
    %dma_start3A_65 = tpu.memref_slice %arg6[%dma_start3A_62, %dma_start3A_63, %dma_start3A_64] : memref<7x16x1024xf32, #tpu.memory_space<vmem>> -> memref<1x16x1024xf32, #tpu.memory_space<vmem>>
    %dma_start3A_66 = tpu.memref_squeeze %dma_start3A_65 : memref<1x16x1024xf32, #tpu.memory_space<vmem>> -> memref<16x1024xf32, #tpu.memory_space<vmem>>
    %dma_start3A_67 = arith.constant 96 : i32
    %dma_start3A_68 = tpu.memref_slice %arg5[%dma_start3A_67] : memref<256xi32, #tpu.memory_space<vmem>> -> memref<16xi32, #tpu.memory_space<vmem>>
    %dma_start3A_69 = arith.constant 0 : i32
    %dma_start3A_70 = arith.constant 0 : i32
    %dma_start3A_71 = tpu.memref_slice %arg3[%dma_start3A_69, %dma_start3A_70] : memref<8192x1024xf32, #tpu.memory_space<hbm>> -> memref<8192x1024xf32, #tpu.memory_space<hbm>>
    tpu.enqueue_indirect_dma source(%dma_start3A_71 : memref<8192x1024xf32, #tpu.memory_space<hbm>>) target(%dma_start3A_66 : memref<16x1024xf32, #tpu.memory_space<vmem>>) offsets(%dma_start3A_68 : memref<16xi32, #tpu.memory_space<vmem>>) semaphore(%arg13 : memref<!tpu.dma_semaphore, #tpu.memory_space<semaphore_mem>>)
    %dma_wait3A = arith.constant 0 : i32
    %dma_wait3A_72 = arith.constant 0 : i32
    %dma_wait3A_73 = arith.constant 0 : i32
    %dma_wait3A_74 = tpu.memref_slice %arg6[%dma_wait3A, %dma_wait3A_72, %dma_wait3A_73] : memref<7x16x1024xf32, #tpu.memory_space<vmem>> -> memref<1x16x1024xf32, #tpu.memory_space<vmem>>
    %dma_wait3A_75 = tpu.memref_squeeze %dma_wait3A_74 : memref<1x16x1024xf32, #tpu.memory_space<vmem>> -> memref<16x1024xf32, #tpu.memory_space<vmem>>
    %dma_wait3A_76 = arith.constant 0 : i32
    %dma_wait3A_77 = tpu.memref_slice %arg5[%dma_wait3A_76] : memref<256xi32, #tpu.memory_space<vmem>> -> memref<16xi32, #tpu.memory_space<vmem>>
    %dma_wait3A_78 = arith.constant 0 : i32
    %dma_wait3A_79 = arith.constant 0 : i32
    %dma_wait3A_80 = tpu.memref_slice %arg3[%dma_wait3A_78, %dma_wait3A_79] : memref<8192x1024xf32, #tpu.memory_space<hbm>> -> memref<8192x1024xf32, #tpu.memory_space<hbm>>
    tpu.wait_indirect_dma semaphore(%arg7 : memref<!tpu.dma_semaphore, #tpu.memory_space<semaphore_mem>>) src(%dma_wait3A_80 : memref<8192x1024xf32, #tpu.memory_space<hbm>>) dst(%dma_wait3A_75 : memref<16x1024xf32, #tpu.memory_space<vmem>>)
    %add3A_81 = arith.constant 0 : i32
    %add3A_82 = arith.addi %mul3A_2, %add3A_81 : i32
    %dma_start3A_83 = arith.constant 0 : i32
    %dma_start3A_84 = arith.constant 0 : i32
    %dma_start3A_85 = arith.constant 0 : i32
    %dma_start3A_86 = tpu.memref_slice %arg6[%dma_start3A_83, %dma_start3A_84, %dma_start3A_85] : memref<7x16x1024xf32, #tpu.memory_space<vmem>> -> memref<1x16x1024xf32, #tpu.memory_space<vmem>>
    %dma_start3A_87 = tpu.memref_squeeze %dma_start3A_86 : memref<1x16x1024xf32, #tpu.memory_space<vmem>> -> memref<16x1024xf32, #tpu.memory_space<vmem>>
    %dma_start3A_88 = arith.constant 0 : i32
    %dma_start3A_89 = tpu.memref_slice %arg4[%add3A_82, %dma_start3A_88] : memref<8192x1024xf32, #tpu.memory_space<hbm>> -> memref<16x1024xf32, #tpu.memory_space<hbm>>
    %dma_start3A_90 = arith.constant 0 : i32
    %dma_start3A_91 = tpu.memref_slice %arg4[%add3A_82, %dma_start3A_90] : memref<8192x1024xf32, #tpu.memory_space<hbm>> -> memref<16x1024xf32, #tpu.memory_space<hbm>>
    %dma_start3A_92 = arith.constant 0 : i32
    %dma_start3A_93 = arith.constant 0 : i32
    %dma_start3A_94 = tpu.memref_slice %arg6[%dma_start3A_83, %dma_start3A_92, %dma_start3A_93] : memref<7x16x1024xf32, #tpu.memory_space<vmem>> -> memref<1x16x1024xf32, #tpu.memory_space<vmem>>
    %dma_start3A_95 = tpu.memref_squeeze %dma_start3A_94 : memref<1x16x1024xf32, #tpu.memory_space<vmem>> -> memref<16x1024xf32, #tpu.memory_space<vmem>>
    tpu.enqueue_dma source(%dma_start3A_95 : memref<16x1024xf32, #tpu.memory_space<vmem>>) target(%dma_start3A_91 : memref<16x1024xf32, #tpu.memory_space<hbm>>) target_semaphore(%arg14 : memref<!tpu.dma_semaphore, #tpu.memory_space<semaphore_mem>>)
    %dma_wait3A_96 = arith.constant 0 : i32
    %dma_wait3A_97 = arith.constant 0 : i32
    %dma_wait3A_98 = arith.constant 0 : i32
    %dma_wait3A_99 = tpu.memref_slice %arg6[%dma_wait3A_96, %dma_wait3A_97, %dma_wait3A_98] : memref<7x16x1024xf32, #tpu.memory_space<vmem>> -> memref<1x16x1024xf32, #tpu.memory_space<vmem>>
    %dma_wait3A_100 = tpu.memref_squeeze %dma_wait3A_99 : memref<1x16x1024xf32, #tpu.memory_space<vmem>> -> memref<16x1024xf32, #tpu.memory_space<vmem>>
    %dma_wait3A_101 = arith.constant 0 : i32
    %dma_wait3A_102 = tpu.memref_slice %arg4[%add3A_82, %dma_wait3A_101] : memref<8192x1024xf32, #tpu.memory_space<hbm>> -> memref<16x1024xf32, #tpu.memory_space<hbm>>
    %dma_wait3A_103 = arith.constant 0 : i32
    %dma_wait3A_104 = tpu.memref_slice %arg4[%add3A_82, %dma_wait3A_103] : memref<8192x1024xf32, #tpu.memory_space<hbm>> -> memref<16x1024xf32, #tpu.memory_space<hbm>>
    %dma_wait3A_105 = arith.constant 0 : i32
    %dma_wait3A_106 = arith.constant 0 : i32
    %dma_wait3A_107 = tpu.memref_slice %arg6[%dma_wait3A_96, %dma_wait3A_105, %dma_wait3A_106] : memref<7x16x1024xf32, #tpu.memory_space<vmem>> -> memref<1x16x1024xf32, #tpu.memory_space<vmem>>
    %dma_wait3A_108 = tpu.memref_squeeze %dma_wait3A_107 : memref<1x16x1024xf32, #tpu.memory_space<vmem>> -> memref<16x1024xf32, #tpu.memory_space<vmem>>
    tpu.wait_dma2 semaphore(%arg14 : memref<!tpu.dma_semaphore, #tpu.memory_space<semaphore_mem>>) src(%dma_wait3A_108 : memref<16x1024xf32, #tpu.memory_space<vmem>>) dst(%dma_wait3A_104 : memref<16x1024xf32, #tpu.memory_space<hbm>>)
    %dma_start3A_109 = arith.constant 0 : i32
    %dma_start3A_110 = arith.constant 0 : i32
    %dma_start3A_111 = arith.constant 0 : i32
    %dma_start3A_112 = tpu.memref_slice %arg6[%dma_start3A_109, %dma_start3A_110, %dma_start3A_111] : memref<7x16x1024xf32, #tpu.memory_space<vmem>> -> memref<1x16x1024xf32, #tpu.memory_space<vmem>>
    %dma_start3A_113 = tpu.memref_squeeze %dma_start3A_112 : memref<1x16x1024xf32, #tpu.memory_space<vmem>> -> memref<16x1024xf32, #tpu.memory_space<vmem>>
    %dma_start3A_114 = arith.constant 112 : i32
    %dma_start3A_115 = tpu.memref_slice %arg5[%dma_start3A_114] : memref<256xi32, #tpu.memory_space<vmem>> -> memref<16xi32, #tpu.memory_space<vmem>>
    %dma_start3A_116 = arith.constant 0 : i32
    %dma_start3A_117 = arith.constant 0 : i32
    %dma_start3A_118 = tpu.memref_slice %arg3[%dma_start3A_116, %dma_start3A_117] : memref<8192x1024xf32, #tpu.memory_space<hbm>> -> memref<8192x1024xf32, #tpu.memory_space<hbm>>
    tpu.enqueue_indirect_dma source(%dma_start3A_118 : memref<8192x1024xf32, #tpu.memory_space<hbm>>) target(%dma_start3A_113 : memref<16x1024xf32, #tpu.memory_space<vmem>>) offsets(%dma_start3A_115 : memref<16xi32, #tpu.memory_space<vmem>>) semaphore(%arg7 : memref<!tpu.dma_semaphore, #tpu.memory_space<semaphore_mem>>)
    %dma_wait3A_119 = arith.constant 1 : i32
    %dma_wait3A_120 = arith.constant 0 : i32
    %dma_wait3A_121 = arith.constant 0 : i32
    %dma_wait3A_122 = tpu.memref_slice %arg6[%dma_wait3A_119, %dma_wait3A_120, %dma_wait3A_121] : memref<7x16x1024xf32, #tpu.memory_space<vmem>> -> memref<1x16x1024xf32, #tpu.memory_space<vmem>>
    %dma_wait3A_123 = tpu.memref_squeeze %dma_wait3A_122 : memref<1x16x1024xf32, #tpu.memory_space<vmem>> -> memref<16x1024xf32, #tpu.memory_space<vmem>>
    %dma_wait3A_124 = arith.constant 16 : i32
    %dma_wait3A_125 = tpu.memref_slice %arg5[%dma_wait3A_124] : memref<256xi32, #tpu.memory_space<vmem>> -> memref<16xi32, #tpu.memory_space<vmem>>
    %dma_wait3A_126 = arith.constant 0 : i32
    %dma_wait3A_127 = arith.constant 0 : i32
    %dma_wait3A_128 = tpu.memref_slice %arg3[%dma_wait3A_126, %dma_wait3A_127] : memref<8192x1024xf32, #tpu.memory_space<hbm>> -> memref<8192x1024xf32, #tpu.memory_space<hbm>>
    tpu.wait_indirect_dma semaphore(%arg8 : memref<!tpu.dma_semaphore, #tpu.memory_space<semaphore_mem>>) src(%dma_wait3A_128 : memref<8192x1024xf32, #tpu.memory_space<hbm>>) dst(%dma_wait3A_123 : memref<16x1024xf32, #tpu.memory_space<vmem>>)
    %add3A_129 = arith.constant 16 : i32
    %add3A_130 = arith.addi %mul3A_2, %add3A_129 : i32
    %dma_start3A_131 = arith.constant 1 : i32
    %dma_start3A_132 = arith.constant 0 : i32
    %dma_start3A_133 = arith.constant 0 : i32
    %dma_start3A_134 = tpu.memref_slice %arg6[%dma_start3A_131, %dma_start3A_132, %dma_start3A_133] : memref<7x16x1024xf32, #tpu.memory_space<vmem>> -> memref<1x16x1024xf32, #tpu.memory_space<vmem>>
    %dma_start3A_135 = tpu.memref_squeeze %dma_start3A_134 : memref<1x16x1024xf32, #tpu.memory_space<vmem>> -> memref<16x1024xf32, #tpu.memory_space<vmem>>
    %dma_start3A_136 = arith.constant 0 : i32
    %dma_start3A_137 = tpu.memref_slice %arg4[%add3A_130, %dma_start3A_136] : memref<8192x1024xf32, #tpu.memory_space<hbm>> -> memref<16x1024xf32, #tpu.memory_space<hbm>>
    %dma_start3A_138 = arith.constant 0 : i32
    %dma_start3A_139 = tpu.memref_slice %arg4[%add3A_130, %dma_start3A_138] : memref<8192x1024xf32, #tpu.memory_space<hbm>> -> memref<16x1024xf32, #tpu.memory_space<hbm>>
    %dma_start3A_140 = arith.constant 0 : i32
    %dma_start3A_141 = arith.constant 0 : i32
    %dma_start3A_142 = tpu.memref_slice %arg6[%dma_start3A_131, %dma_start3A_140, %dma_start3A_141] : memref<7x16x1024xf32, #tpu.memory_space<vmem>> -> memref<1x16x1024xf32, #tpu.memory_space<vmem>>
    %dma_start3A_143 = tpu.memref_squeeze %dma_start3A_142 : memref<1x16x1024xf32, #tpu.memory_space<vmem>> -> memref<16x1024xf32, #tpu.memory_space<vmem>>
    tpu.enqueue_dma source(%dma_start3A_143 : memref<16x1024xf32, #tpu.memory_space<vmem>>) target(%dma_start3A_139 : memref<16x1024xf32, #tpu.memory_space<hbm>>) target_semaphore(%arg15 : memref<!tpu.dma_semaphore, #tpu.memory_space<semaphore_mem>>)
    %dma_wait3A_144 = arith.constant 1 : i32
    %dma_wait3A_145 = arith.constant 0 : i32
    %dma_wait3A_146 = arith.constant 0 : i32
    %dma_wait3A_147 = tpu.memref_slice %arg6[%dma_wait3A_144, %dma_wait3A_145, %dma_wait3A_146] : memref<7x16x1024xf32, #tpu.memory_space<vmem>> -> memref<1x16x1024xf32, #tpu.memory_space<vmem>>
    %dma_wait3A_148 = tpu.memref_squeeze %dma_wait3A_147 : memref<1x16x1024xf32, #tpu.memory_space<vmem>> -> memref<16x1024xf32, #tpu.memory_space<vmem>>
    %dma_wait3A_149 = arith.constant 0 : i32
    %dma_wait3A_150 = tpu.memref_slice %arg4[%add3A_130, %dma_wait3A_149] : memref<8192x1024xf32, #tpu.memory_space<hbm>> -> memref<16x1024xf32, #tpu.memory_space<hbm>>
    %dma_wait3A_151 = arith.constant 0 : i32
    %dma_wait3A_152 = tpu.memref_slice %arg4[%add3A_130, %dma_wait3A_151] : memref<8192x1024xf32, #tpu.memory_space<hbm>> -> memref<16x1024xf32, #tpu.memory_space<hbm>>
    %dma_wait3A_153 = arith.constant 0 : i32
    %dma_wait3A_154 = arith.constant 0 : i32
    %dma_wait3A_155 = tpu.memref_slice %arg6[%dma_wait3A_144, %dma_wait3A_153, %dma_wait3A_154] : memref<7x16x1024xf32, #tpu.memory_space<vmem>> -> memref<1x16x1024xf32, #tpu.memory_space<vmem>>
    %dma_wait3A_156 = tpu.memref_squeeze %dma_wait3A_155 : memref<1x16x1024xf32, #tpu.memory_space<vmem>> -> memref<16x1024xf32, #tpu.memory_space<vmem>>
    tpu.wait_dma2 semaphore(%arg15 : memref<!tpu.dma_semaphore, #tpu.memory_space<semaphore_mem>>) src(%dma_wait3A_156 : memref<16x1024xf32, #tpu.memory_space<vmem>>) dst(%dma_wait3A_152 : memref<16x1024xf32, #tpu.memory_space<hbm>>)
    %dma_start3A_157 = arith.constant 1 : i32
    %dma_start3A_158 = arith.constant 0 : i32
    %dma_start3A_159 = arith.constant 0 : i32
    %dma_start3A_160 = tpu.memref_slice %arg6[%dma_start3A_157, %dma_start3A_158, %dma_start3A_159] : memref<7x16x1024xf32, #tpu.memory_space<vmem>> -> memref<1x16x1024xf32, #tpu.memory_space<vmem>>
    %dma_start3A_161 = tpu.memref_squeeze %dma_start3A_160 : memref<1x16x1024xf32, #tpu.memory_space<vmem>> -> memref<16x1024xf32, #tpu.memory_space<vmem>>
    %dma_start3A_162 = arith.constant 128 : i32
    %dma_start3A_163 = tpu.memref_slice %arg5[%dma_start3A_162] : memref<256xi32, #tpu.memory_space<vmem>> -> memref<16xi32, #tpu.memory_space<vmem>>
    %dma_start3A_164 = arith.constant 0 : i32
    %dma_start3A_165 = arith.constant 0 : i32
    %dma_start3A_166 = tpu.memref_slice %arg3[%dma_start3A_164, %dma_start3A_165] : memref<8192x1024xf32, #tpu.memory_space<hbm>> -> memref<8192x1024xf32, #tpu.memory_space<hbm>>
    tpu.enqueue_indirect_dma source(%dma_start3A_166 : memref<8192x1024xf32, #tpu.memory_space<hbm>>) target(%dma_start3A_161 : memref<16x1024xf32, #tpu.memory_space<vmem>>) offsets(%dma_start3A_163 : memref<16xi32, #tpu.memory_space<vmem>>) semaphore(%arg8 : memref<!tpu.dma_semaphore, #tpu.memory_space<semaphore_mem>>)
    %dma_wait3A_167 = arith.constant 2 : i32
    %dma_wait3A_168 = arith.constant 0 : i32
    %dma_wait3A_169 = arith.constant 0 : i32
    %dma_wait3A_170 = tpu.memref_slice %arg6[%dma_wait3A_167, %dma_wait3A_168, %dma_wait3A_169] : memref<7x16x1024xf32, #tpu.memory_space<vmem>> -> memref<1x16x1024xf32, #tpu.memory_space<vmem>>
    %dma_wait3A_171 = tpu.memref_squeeze %dma_wait3A_170 : memref<1x16x1024xf32, #tpu.memory_space<vmem>> -> memref<16x1024xf32, #tpu.memory_space<vmem>>
    %dma_wait3A_172 = arith.constant 32 : i32
    %dma_wait3A_173 = tpu.memref_slice %arg5[%dma_wait3A_172] : memref<256xi32, #tpu.memory_space<vmem>> -> memref<16xi32, #tpu.memory_space<vmem>>
    %dma_wait3A_174 = arith.constant 0 : i32
    %dma_wait3A_175 = arith.constant 0 : i32
    %dma_wait3A_176 = tpu.memref_slice %arg3[%dma_wait3A_174, %dma_wait3A_175] : memref<8192x1024xf32, #tpu.memory_space<hbm>> -> memref<8192x1024xf32, #tpu.memory_space<hbm>>
    tpu.wait_indirect_dma semaphore(%arg9 : memref<!tpu.dma_semaphore, #tpu.memory_space<semaphore_mem>>) src(%dma_wait3A_176 : memref<8192x1024xf32, #tpu.memory_space<hbm>>) dst(%dma_wait3A_171 : memref<16x1024xf32, #tpu.memory_space<vmem>>)
    %add3A_177 = arith.constant 32 : i32
    %add3A_178 = arith.addi %mul3A_2, %add3A_177 : i32
    %dma_start3A_179 = arith.constant 2 : i32
    %dma_start3A_180 = arith.constant 0 : i32
    %dma_start3A_181 = arith.constant 0 : i32
    %dma_start3A_182 = tpu.memref_slice %arg6[%dma_start3A_179, %dma_start3A_180, %dma_start3A_181] : memref<7x16x1024xf32, #tpu.memory_space<vmem>> -> memref<1x16x1024xf32, #tpu.memory_space<vmem>>
    %dma_start3A_183 = tpu.memref_squeeze %dma_start3A_182 : memref<1x16x1024xf32, #tpu.memory_space<vmem>> -> memref<16x1024xf32, #tpu.memory_space<vmem>>
    %dma_start3A_184 = arith.constant 0 : i32
    %dma_start3A_185 = tpu.memref_slice %arg4[%add3A_178, %dma_start3A_184] : memref<8192x1024xf32, #tpu.memory_space<hbm>> -> memref<16x1024xf32, #tpu.memory_space<hbm>>
    %dma_start3A_186 = arith.constant 0 : i32
    %dma_start3A_187 = tpu.memref_slice %arg4[%add3A_178, %dma_start3A_186] : memref<8192x1024xf32, #tpu.memory_space<hbm>> -> memref<16x1024xf32, #tpu.memory_space<hbm>>
    %dma_start3A_188 = arith.constant 0 : i32
    %dma_start3A_189 = arith.constant 0 : i32
    %dma_start3A_190 = tpu.memref_slice %arg6[%dma_start3A_179, %dma_start3A_188, %dma_start3A_189] : memref<7x16x1024xf32, #tpu.memory_space<vmem>> -> memref<1x16x1024xf32, #tpu.memory_space<vmem>>
    %dma_start3A_191 = tpu.memref_squeeze %dma_start3A_190 : memref<1x16x1024xf32, #tpu.memory_space<vmem>> -> memref<16x1024xf32, #tpu.memory_space<vmem>>
    tpu.enqueue_dma source(%dma_start3A_191 : memref<16x1024xf32, #tpu.memory_space<vmem>>) target(%dma_start3A_187 : memref<16x1024xf32, #tpu.memory_space<hbm>>) target_semaphore(%arg16 : memref<!tpu.dma_semaphore, #tpu.memory_space<semaphore_mem>>)
    %dma_wait3A_192 = arith.constant 2 : i32
    %dma_wait3A_193 = arith.constant 0 : i32
    %dma_wait3A_194 = arith.constant 0 : i32
    %dma_wait3A_195 = tpu.memref_slice %arg6[%dma_wait3A_192, %dma_wait3A_193, %dma_wait3A_194] : memref<7x16x1024xf32, #tpu.memory_space<vmem>> -> memref<1x16x1024xf32, #tpu.memory_space<vmem>>
    %dma_wait3A_196 = tpu.memref_squeeze %dma_wait3A_195 : memref<1x16x1024xf32, #tpu.memory_space<vmem>> -> memref<16x1024xf32, #tpu.memory_space<vmem>>
    %dma_wait3A_197 = arith.constant 0 : i32
    %dma_wait3A_198 = tpu.memref_slice %arg4[%add3A_178, %dma_wait3A_197] : memref<8192x1024xf32, #tpu.memory_space<hbm>> -> memref<16x1024xf32, #tpu.memory_space<hbm>>
    %dma_wait3A_199 = arith.constant 0 : i32
    %dma_wait3A_200 = tpu.memref_slice %arg4[%add3A_178, %dma_wait3A_199] : memref<8192x1024xf32, #tpu.memory_space<hbm>> -> memref<16x1024xf32, #tpu.memory_space<hbm>>
    %dma_wait3A_201 = arith.constant 0 : i32
    %dma_wait3A_202 = arith.constant 0 : i32
    %dma_wait3A_203 = tpu.memref_slice %arg6[%dma_wait3A_192, %dma_wait3A_201, %dma_wait3A_202] : memref<7x16x1024xf32, #tpu.memory_space<vmem>> -> memref<1x16x1024xf32, #tpu.memory_space<vmem>>
    %dma_wait3A_204 = tpu.memref_squeeze %dma_wait3A_203 : memref<1x16x1024xf32, #tpu.memory_space<vmem>> -> memref<16x1024xf32, #tpu.memory_space<vmem>>
    tpu.wait_dma2 semaphore(%arg16 : memref<!tpu.dma_semaphore, #tpu.memory_space<semaphore_mem>>) src(%dma_wait3A_204 : memref<16x1024xf32, #tpu.memory_space<vmem>>) dst(%dma_wait3A_200 : memref<16x1024xf32, #tpu.memory_space<hbm>>)
    %dma_start3A_205 = arith.constant 2 : i32
    %dma_start3A_206 = arith.constant 0 : i32
    %dma_start3A_207 = arith.constant 0 : i32
    %dma_start3A_208 = tpu.memref_slice %arg6[%dma_start3A_205, %dma_start3A_206, %dma_start3A_207] : memref<7x16x1024xf32, #tpu.memory_space<vmem>> -> memref<1x16x1024xf32, #tpu.memory_space<vmem>>
    %dma_start3A_209 = tpu.memref_squeeze %dma_start3A_208 : memref<1x16x1024xf32, #tpu.memory_space<vmem>> -> memref<16x1024xf32, #tpu.memory_space<vmem>>
    %dma_start3A_210 = arith.constant 144 : i32
    %dma_start3A_211 = tpu.memref_slice %arg5[%dma_start3A_210] : memref<256xi32, #tpu.memory_space<vmem>> -> memref<16xi32, #tpu.memory_space<vmem>>
    %dma_start3A_212 = arith.constant 0 : i32
    %dma_start3A_213 = arith.constant 0 : i32
    %dma_start3A_214 = tpu.memref_slice %arg3[%dma_start3A_212, %dma_start3A_213] : memref<8192x1024xf32, #tpu.memory_space<hbm>> -> memref<8192x1024xf32, #tpu.memory_space<hbm>>
    tpu.enqueue_indirect_dma source(%dma_start3A_214 : memref<8192x1024xf32, #tpu.memory_space<hbm>>) target(%dma_start3A_209 : memref<16x1024xf32, #tpu.memory_space<vmem>>) offsets(%dma_start3A_211 : memref<16xi32, #tpu.memory_space<vmem>>) semaphore(%arg9 : memref<!tpu.dma_semaphore, #tpu.memory_space<semaphore_mem>>)
    %dma_wait3A_215 = arith.constant 3 : i32
    %dma_wait3A_216 = arith.constant 0 : i32
    %dma_wait3A_217 = arith.constant 0 : i32
    %dma_wait3A_218 = tpu.memref_slice %arg6[%dma_wait3A_215, %dma_wait3A_216, %dma_wait3A_217] : memref<7x16x1024xf32, #tpu.memory_space<vmem>> -> memref<1x16x1024xf32, #tpu.memory_space<vmem>>
    %dma_wait3A_219 = tpu.memref_squeeze %dma_wait3A_218 : memref<1x16x1024xf32, #tpu.memory_space<vmem>> -> memref<16x1024xf32, #tpu.memory_space<vmem>>
    %dma_wait3A_220 = arith.constant 48 : i32
    %dma_wait3A_221 = tpu.memref_slice %arg5[%dma_wait3A_220] : memref<256xi32, #tpu.memory_space<vmem>> -> memref<16xi32, #tpu.memory_space<vmem>>
    %dma_wait3A_222 = arith.constant 0 : i32
    %dma_wait3A_223 = arith.constant 0 : i32
    %dma_wait3A_224 = tpu.memref_slice %arg3[%dma_wait3A_222, %dma_wait3A_223] : memref<8192x1024xf32, #tpu.memory_space<hbm>> -> memref<8192x1024xf32, #tpu.memory_space<hbm>>
    tpu.wait_indirect_dma semaphore(%arg10 : memref<!tpu.dma_semaphore, #tpu.memory_space<semaphore_mem>>) src(%dma_wait3A_224 : memref<8192x1024xf32, #tpu.memory_space<hbm>>) dst(%dma_wait3A_219 : memref<16x1024xf32, #tpu.memory_space<vmem>>)
    %add3A_225 = arith.constant 48 : i32
    %add3A_226 = arith.addi %mul3A_2, %add3A_225 : i32
    %dma_start3A_227 = arith.constant 3 : i32
    %dma_start3A_228 = arith.constant 0 : i32
    %dma_start3A_229 = arith.constant 0 : i32
    %dma_start3A_230 = tpu.memref_slice %arg6[%dma_start3A_227, %dma_start3A_228, %dma_start3A_229] : memref<7x16x1024xf32, #tpu.memory_space<vmem>> -> memref<1x16x1024xf32, #tpu.memory_space<vmem>>
    %dma_start3A_231 = tpu.memref_squeeze %dma_start3A_230 : memref<1x16x1024xf32, #tpu.memory_space<vmem>> -> memref<16x1024xf32, #tpu.memory_space<vmem>>
    %dma_start3A_232 = arith.constant 0 : i32
    %dma_start3A_233 = tpu.memref_slice %arg4[%add3A_226, %dma_start3A_232] : memref<8192x1024xf32, #tpu.memory_space<hbm>> -> memref<16x1024xf32, #tpu.memory_space<hbm>>
    %dma_start3A_234 = arith.constant 0 : i32
    %dma_start3A_235 = tpu.memref_slice %arg4[%add3A_226, %dma_start3A_234] : memref<8192x1024xf32, #tpu.memory_space<hbm>> -> memref<16x1024xf32, #tpu.memory_space<hbm>>
    %dma_start3A_236 = arith.constant 0 : i32
    %dma_start3A_237 = arith.constant 0 : i32
    %dma_start3A_238 = tpu.memref_slice %arg6[%dma_start3A_227, %dma_start3A_236, %dma_start3A_237] : memref<7x16x1024xf32, #tpu.memory_space<vmem>> -> memref<1x16x1024xf32, #tpu.memory_space<vmem>>
    %dma_start3A_239 = tpu.memref_squeeze %dma_start3A_238 : memref<1x16x1024xf32, #tpu.memory_space<vmem>> -> memref<16x1024xf32, #tpu.memory_space<vmem>>
    tpu.enqueue_dma source(%dma_start3A_239 : memref<16x1024xf32, #tpu.memory_space<vmem>>) target(%dma_start3A_235 : memref<16x1024xf32, #tpu.memory_space<hbm>>) target_semaphore(%arg17 : memref<!tpu.dma_semaphore, #tpu.memory_space<semaphore_mem>>)
    %dma_wait3A_240 = arith.constant 3 : i32
    %dma_wait3A_241 = arith.constant 0 : i32
    %dma_wait3A_242 = arith.constant 0 : i32
    %dma_wait3A_243 = tpu.memref_slice %arg6[%dma_wait3A_240, %dma_wait3A_241, %dma_wait3A_242] : memref<7x16x1024xf32, #tpu.memory_space<vmem>> -> memref<1x16x1024xf32, #tpu.memory_space<vmem>>
    %dma_wait3A_244 = tpu.memref_squeeze %dma_wait3A_243 : memref<1x16x1024xf32, #tpu.memory_space<vmem>> -> memref<16x1024xf32, #tpu.memory_space<vmem>>
    %dma_wait3A_245 = arith.constant 0 : i32
    %dma_wait3A_246 = tpu.memref_slice %arg4[%add3A_226, %dma_wait3A_245] : memref<8192x1024xf32, #tpu.memory_space<hbm>> -> memref<16x1024xf32, #tpu.memory_space<hbm>>
    %dma_wait3A_247 = arith.constant 0 : i32
    %dma_wait3A_248 = tpu.memref_slice %arg4[%add3A_226, %dma_wait3A_247] : memref<8192x1024xf32, #tpu.memory_space<hbm>> -> memref<16x1024xf32, #tpu.memory_space<hbm>>
    %dma_wait3A_249 = arith.constant 0 : i32
    %dma_wait3A_250 = arith.constant 0 : i32
    %dma_wait3A_251 = tpu.memref_slice %arg6[%dma_wait3A_240, %dma_wait3A_249, %dma_wait3A_250] : memref<7x16x1024xf32, #tpu.memory_space<vmem>> -> memref<1x16x1024xf32, #tpu.memory_space<vmem>>
    %dma_wait3A_252 = tpu.memref_squeeze %dma_wait3A_251 : memref<1x16x1024xf32, #tpu.memory_space<vmem>> -> memref<16x1024xf32, #tpu.memory_space<vmem>>
    tpu.wait_dma2 semaphore(%arg17 : memref<!tpu.dma_semaphore, #tpu.memory_space<semaphore_mem>>) src(%dma_wait3A_252 : memref<16x1024xf32, #tpu.memory_space<vmem>>) dst(%dma_wait3A_248 : memref<16x1024xf32, #tpu.memory_space<hbm>>)
    %dma_start3A_253 = arith.constant 3 : i32
    %dma_start3A_254 = arith.constant 0 : i32
    %dma_start3A_255 = arith.constant 0 : i32
    %dma_start3A_256 = tpu.memref_slice %arg6[%dma_start3A_253, %dma_start3A_254, %dma_start3A_255] : memref<7x16x1024xf32, #tpu.memory_space<vmem>> -> memref<1x16x1024xf32, #tpu.memory_space<vmem>>
    %dma_start3A_257 = tpu.memref_squeeze %dma_start3A_256 : memref<1x16x1024xf32, #tpu.memory_space<vmem>> -> memref<16x1024xf32, #tpu.memory_space<vmem>>
    %dma_start3A_258 = arith.constant 160 : i32
    %dma_start3A_259 = tpu.memref_slice %arg5[%dma_start3A_258] : memref<256xi32, #tpu.memory_space<vmem>> -> memref<16xi32, #tpu.memory_space<vmem>>
    %dma_start3A_260 = arith.constant 0 : i32
    %dma_start3A_261 = arith.constant 0 : i32
    %dma_start3A_262 = tpu.memref_slice %arg3[%dma_start3A_260, %dma_start3A_261] : memref<8192x1024xf32, #tpu.memory_space<hbm>> -> memref<8192x1024xf32, #tpu.memory_space<hbm>>
    tpu.enqueue_indirect_dma source(%dma_start3A_262 : memref<8192x1024xf32, #tpu.memory_space<hbm>>) target(%dma_start3A_257 : memref<16x1024xf32, #tpu.memory_space<vmem>>) offsets(%dma_start3A_259 : memref<16xi32, #tpu.memory_space<vmem>>) semaphore(%arg10 : memref<!tpu.dma_semaphore, #tpu.memory_space<semaphore_mem>>)
    %dma_wait3A_263 = arith.constant 4 : i32
    %dma_wait3A_264 = arith.constant 0 : i32
    %dma_wait3A_265 = arith.constant 0 : i32
    %dma_wait3A_266 = tpu.memref_slice %arg6[%dma_wait3A_263, %dma_wait3A_264, %dma_wait3A_265] : memref<7x16x1024xf32, #tpu.memory_space<vmem>> -> memref<1x16x1024xf32, #tpu.memory_space<vmem>>
    %dma_wait3A_267 = tpu.memref_squeeze %dma_wait3A_266 : memref<1x16x1024xf32, #tpu.memory_space<vmem>> -> memref<16x1024xf32, #tpu.memory_space<vmem>>
    %dma_wait3A_268 = arith.constant 64 : i32
    %dma_wait3A_269 = tpu.memref_slice %arg5[%dma_wait3A_268] : memref<256xi32, #tpu.memory_space<vmem>> -> memref<16xi32, #tpu.memory_space<vmem>>
    %dma_wait3A_270 = arith.constant 0 : i32
    %dma_wait3A_271 = arith.constant 0 : i32
    %dma_wait3A_272 = tpu.memref_slice %arg3[%dma_wait3A_270, %dma_wait3A_271] : memref<8192x1024xf32, #tpu.memory_space<hbm>> -> memref<8192x1024xf32, #tpu.memory_space<hbm>>
    tpu.wait_indirect_dma semaphore(%arg11 : memref<!tpu.dma_semaphore, #tpu.memory_space<semaphore_mem>>) src(%dma_wait3A_272 : memref<8192x1024xf32, #tpu.memory_space<hbm>>) dst(%dma_wait3A_267 : memref<16x1024xf32, #tpu.memory_space<vmem>>)
    %add3A_273 = arith.constant 64 : i32
    %add3A_274 = arith.addi %mul3A_2, %add3A_273 : i32
    %dma_start3A_275 = arith.constant 4 : i32
    %dma_start3A_276 = arith.constant 0 : i32
    %dma_start3A_277 = arith.constant 0 : i32
    %dma_start3A_278 = tpu.memref_slice %arg6[%dma_start3A_275, %dma_start3A_276, %dma_start3A_277] : memref<7x16x1024xf32, #tpu.memory_space<vmem>> -> memref<1x16x1024xf32, #tpu.memory_space<vmem>>
    %dma_start3A_279 = tpu.memref_squeeze %dma_start3A_278 : memref<1x16x1024xf32, #tpu.memory_space<vmem>> -> memref<16x1024xf32, #tpu.memory_space<vmem>>
    %dma_start3A_280 = arith.constant 0 : i32
    %dma_start3A_281 = tpu.memref_slice %arg4[%add3A_274, %dma_start3A_280] : memref<8192x1024xf32, #tpu.memory_space<hbm>> -> memref<16x1024xf32, #tpu.memory_space<hbm>>
    %dma_start3A_282 = arith.constant 0 : i32
    %dma_start3A_283 = tpu.memref_slice %arg4[%add3A_274, %dma_start3A_282] : memref<8192x1024xf32, #tpu.memory_space<hbm>> -> memref<16x1024xf32, #tpu.memory_space<hbm>>
    %dma_start3A_284 = arith.constant 0 : i32
    %dma_start3A_285 = arith.constant 0 : i32
    %dma_start3A_286 = tpu.memref_slice %arg6[%dma_start3A_275, %dma_start3A_284, %dma_start3A_285] : memref<7x16x1024xf32, #tpu.memory_space<vmem>> -> memref<1x16x1024xf32, #tpu.memory_space<vmem>>
    %dma_start3A_287 = tpu.memref_squeeze %dma_start3A_286 : memref<1x16x1024xf32, #tpu.memory_space<vmem>> -> memref<16x1024xf32, #tpu.memory_space<vmem>>
    tpu.enqueue_dma source(%dma_start3A_287 : memref<16x1024xf32, #tpu.memory_space<vmem>>) target(%dma_start3A_283 : memref<16x1024xf32, #tpu.memory_space<hbm>>) target_semaphore(%arg18 : memref<!tpu.dma_semaphore, #tpu.memory_space<semaphore_mem>>)
    %dma_wait3A_288 = arith.constant 4 : i32
    %dma_wait3A_289 = arith.constant 0 : i32
    %dma_wait3A_290 = arith.constant 0 : i32
    %dma_wait3A_291 = tpu.memref_slice %arg6[%dma_wait3A_288, %dma_wait3A_289, %dma_wait3A_290] : memref<7x16x1024xf32, #tpu.memory_space<vmem>> -> memref<1x16x1024xf32, #tpu.memory_space<vmem>>
    %dma_wait3A_292 = tpu.memref_squeeze %dma_wait3A_291 : memref<1x16x1024xf32, #tpu.memory_space<vmem>> -> memref<16x1024xf32, #tpu.memory_space<vmem>>
    %dma_wait3A_293 = arith.constant 0 : i32
    %dma_wait3A_294 = tpu.memref_slice %arg4[%add3A_274, %dma_wait3A_293] : memref<8192x1024xf32, #tpu.memory_space<hbm>> -> memref<16x1024xf32, #tpu.memory_space<hbm>>
    %dma_wait3A_295 = arith.constant 0 : i32
    %dma_wait3A_296 = tpu.memref_slice %arg4[%add3A_274, %dma_wait3A_295] : memref<8192x1024xf32, #tpu.memory_space<hbm>> -> memref<16x1024xf32, #tpu.memory_space<hbm>>
    %dma_wait3A_297 = arith.constant 0 : i32
    %dma_wait3A_298 = arith.constant 0 : i32
    %dma_wait3A_299 = tpu.memref_slice %arg6[%dma_wait3A_288, %dma_wait3A_297, %dma_wait3A_298] : memref<7x16x1024xf32, #tpu.memory_space<vmem>> -> memref<1x16x1024xf32, #tpu.memory_space<vmem>>
    %dma_wait3A_300 = tpu.memref_squeeze %dma_wait3A_299 : memref<1x16x1024xf32, #tpu.memory_space<vmem>> -> memref<16x1024xf32, #tpu.memory_space<vmem>>
    tpu.wait_dma2 semaphore(%arg18 : memref<!tpu.dma_semaphore, #tpu.memory_space<semaphore_mem>>) src(%dma_wait3A_300 : memref<16x1024xf32, #tpu.memory_space<vmem>>) dst(%dma_wait3A_296 : memref<16x1024xf32, #tpu.memory_space<hbm>>)
    %dma_start3A_301 = arith.constant 4 : i32
    %dma_start3A_302 = arith.constant 0 : i32
    %dma_start3A_303 = arith.constant 0 : i32
    %dma_start3A_304 = tpu.memref_slice %arg6[%dma_start3A_301, %dma_start3A_302, %dma_start3A_303] : memref<7x16x1024xf32, #tpu.memory_space<vmem>> -> memref<1x16x1024xf32, #tpu.memory_space<vmem>>
    %dma_start3A_305 = tpu.memref_squeeze %dma_start3A_304 : memref<1x16x1024xf32, #tpu.memory_space<vmem>> -> memref<16x1024xf32, #tpu.memory_space<vmem>>
    %dma_start3A_306 = arith.constant 176 : i32
    %dma_start3A_307 = tpu.memref_slice %arg5[%dma_start3A_306] : memref<256xi32, #tpu.memory_space<vmem>> -> memref<16xi32, #tpu.memory_space<vmem>>
    %dma_start3A_308 = arith.constant 0 : i32
    %dma_start3A_309 = arith.constant 0 : i32
    %dma_start3A_310 = tpu.memref_slice %arg3[%dma_start3A_308, %dma_start3A_309] : memref<8192x1024xf32, #tpu.memory_space<hbm>> -> memref<8192x1024xf32, #tpu.memory_space<hbm>>
    tpu.enqueue_indirect_dma source(%dma_start3A_310 : memref<8192x1024xf32, #tpu.memory_space<hbm>>) target(%dma_start3A_305 : memref<16x1024xf32, #tpu.memory_space<vmem>>) offsets(%dma_start3A_307 : memref<16xi32, #tpu.memory_space<vmem>>) semaphore(%arg11 : memref<!tpu.dma_semaphore, #tpu.memory_space<semaphore_mem>>)
    %dma_wait3A_311 = arith.constant 5 : i32
    %dma_wait3A_312 = arith.constant 0 : i32
    %dma_wait3A_313 = arith.constant 0 : i32
    %dma_wait3A_314 = tpu.memref_slice %arg6[%dma_wait3A_311, %dma_wait3A_312, %dma_wait3A_313] : memref<7x16x1024xf32, #tpu.memory_space<vmem>> -> memref<1x16x1024xf32, #tpu.memory_space<vmem>>
    %dma_wait3A_315 = tpu.memref_squeeze %dma_wait3A_314 : memref<1x16x1024xf32, #tpu.memory_space<vmem>> -> memref<16x1024xf32, #tpu.memory_space<vmem>>
    %dma_wait3A_316 = arith.constant 80 : i32
    %dma_wait3A_317 = tpu.memref_slice %arg5[%dma_wait3A_316] : memref<256xi32, #tpu.memory_space<vmem>> -> memref<16xi32, #tpu.memory_space<vmem>>
    %dma_wait3A_318 = arith.constant 0 : i32
    %dma_wait3A_319 = arith.constant 0 : i32
    %dma_wait3A_320 = tpu.memref_slice %arg3[%dma_wait3A_318, %dma_wait3A_319] : memref<8192x1024xf32, #tpu.memory_space<hbm>> -> memref<8192x1024xf32, #tpu.memory_space<hbm>>
    tpu.wait_indirect_dma semaphore(%arg12 : memref<!tpu.dma_semaphore, #tpu.memory_space<semaphore_mem>>) src(%dma_wait3A_320 : memref<8192x1024xf32, #tpu.memory_space<hbm>>) dst(%dma_wait3A_315 : memref<16x1024xf32, #tpu.memory_space<vmem>>)
    %add3A_321 = arith.constant 80 : i32
    %add3A_322 = arith.addi %mul3A_2, %add3A_321 : i32
    %dma_start3A_323 = arith.constant 5 : i32
    %dma_start3A_324 = arith.constant 0 : i32
    %dma_start3A_325 = arith.constant 0 : i32
    %dma_start3A_326 = tpu.memref_slice %arg6[%dma_start3A_323, %dma_start3A_324, %dma_start3A_325] : memref<7x16x1024xf32, #tpu.memory_space<vmem>> -> memref<1x16x1024xf32, #tpu.memory_space<vmem>>
    %dma_start3A_327 = tpu.memref_squeeze %dma_start3A_326 : memref<1x16x1024xf32, #tpu.memory_space<vmem>> -> memref<16x1024xf32, #tpu.memory_space<vmem>>
    %dma_start3A_328 = arith.constant 0 : i32
    %dma_start3A_329 = tpu.memref_slice %arg4[%add3A_322, %dma_start3A_328] : memref<8192x1024xf32, #tpu.memory_space<hbm>> -> memref<16x1024xf32, #tpu.memory_space<hbm>>
    %dma_start3A_330 = arith.constant 0 : i32
    %dma_start3A_331 = tpu.memref_slice %arg4[%add3A_322, %dma_start3A_330] : memref<8192x1024xf32, #tpu.memory_space<hbm>> -> memref<16x1024xf32, #tpu.memory_space<hbm>>
    %dma_start3A_332 = arith.constant 0 : i32
    %dma_start3A_333 = arith.constant 0 : i32
    %dma_start3A_334 = tpu.memref_slice %arg6[%dma_start3A_323, %dma_start3A_332, %dma_start3A_333] : memref<7x16x1024xf32, #tpu.memory_space<vmem>> -> memref<1x16x1024xf32, #tpu.memory_space<vmem>>
    %dma_start3A_335 = tpu.memref_squeeze %dma_start3A_334 : memref<1x16x1024xf32, #tpu.memory_space<vmem>> -> memref<16x1024xf32, #tpu.memory_space<vmem>>
    tpu.enqueue_dma source(%dma_start3A_335 : memref<16x1024xf32, #tpu.memory_space<vmem>>) target(%dma_start3A_331 : memref<16x1024xf32, #tpu.memory_space<hbm>>) target_semaphore(%arg19 : memref<!tpu.dma_semaphore, #tpu.memory_space<semaphore_mem>>)
    %dma_wait3A_336 = arith.constant 5 : i32
    %dma_wait3A_337 = arith.constant 0 : i32
    %dma_wait3A_338 = arith.constant 0 : i32
    %dma_wait3A_339 = tpu.memref_slice %arg6[%dma_wait3A_336, %dma_wait3A_337, %dma_wait3A_338] : memref<7x16x1024xf32, #tpu.memory_space<vmem>> -> memref<1x16x1024xf32, #tpu.memory_space<vmem>>
    %dma_wait3A_340 = tpu.memref_squeeze %dma_wait3A_339 : memref<1x16x1024xf32, #tpu.memory_space<vmem>> -> memref<16x1024xf32, #tpu.memory_space<vmem>>
    %dma_wait3A_341 = arith.constant 0 : i32
    %dma_wait3A_342 = tpu.memref_slice %arg4[%add3A_322, %dma_wait3A_341] : memref<8192x1024xf32, #tpu.memory_space<hbm>> -> memref<16x1024xf32, #tpu.memory_space<hbm>>
    %dma_wait3A_343 = arith.constant 0 : i32
    %dma_wait3A_344 = tpu.memref_slice %arg4[%add3A_322, %dma_wait3A_343] : memref<8192x1024xf32, #tpu.memory_space<hbm>> -> memref<16x1024xf32, #tpu.memory_space<hbm>>
    %dma_wait3A_345 = arith.constant 0 : i32
    %dma_wait3A_346 = arith.constant 0 : i32
    %dma_wait3A_347 = tpu.memref_slice %arg6[%dma_wait3A_336, %dma_wait3A_345, %dma_wait3A_346] : memref<7x16x1024xf32, #tpu.memory_space<vmem>> -> memref<1x16x1024xf32, #tpu.memory_space<vmem>>
    %dma_wait3A_348 = tpu.memref_squeeze %dma_wait3A_347 : memref<1x16x1024xf32, #tpu.memory_space<vmem>> -> memref<16x1024xf32, #tpu.memory_space<vmem>>
    tpu.wait_dma2 semaphore(%arg19 : memref<!tpu.dma_semaphore, #tpu.memory_space<semaphore_mem>>) src(%dma_wait3A_348 : memref<16x1024xf32, #tpu.memory_space<vmem>>) dst(%dma_wait3A_344 : memref<16x1024xf32, #tpu.memory_space<hbm>>)
    %dma_start3A_349 = arith.constant 5 : i32
    %dma_start3A_350 = arith.constant 0 : i32
    %dma_start3A_351 = arith.constant 0 : i32
    %dma_start3A_352 = tpu.memref_slice %arg6[%dma_start3A_349, %dma_start3A_350, %dma_start3A_351] : memref<7x16x1024xf32, #tpu.memory_space<vmem>> -> memref<1x16x1024xf32, #tpu.memory_space<vmem>>
    %dma_start3A_353 = tpu.memref_squeeze %dma_start3A_352 : memref<1x16x1024xf32, #tpu.memory_space<vmem>> -> memref<16x1024xf32, #tpu.memory_space<vmem>>
    %dma_start3A_354 = arith.constant 192 : i32
    %dma_start3A_355 = tpu.memref_slice %arg5[%dma_start3A_354] : memref<256xi32, #tpu.memory_space<vmem>> -> memref<16xi32, #tpu.memory_space<vmem>>
    %dma_start3A_356 = arith.constant 0 : i32
    %dma_start3A_357 = arith.constant 0 : i32
    %dma_start3A_358 = tpu.memref_slice %arg3[%dma_start3A_356, %dma_start3A_357] : memref<8192x1024xf32, #tpu.memory_space<hbm>> -> memref<8192x1024xf32, #tpu.memory_space<hbm>>
    tpu.enqueue_indirect_dma source(%dma_start3A_358 : memref<8192x1024xf32, #tpu.memory_space<hbm>>) target(%dma_start3A_353 : memref<16x1024xf32, #tpu.memory_space<vmem>>) offsets(%dma_start3A_355 : memref<16xi32, #tpu.memory_space<vmem>>) semaphore(%arg12 : memref<!tpu.dma_semaphore, #tpu.memory_space<semaphore_mem>>)
    %dma_wait3A_359 = arith.constant 6 : i32
    %dma_wait3A_360 = arith.constant 0 : i32
    %dma_wait3A_361 = arith.constant 0 : i32
    %dma_wait3A_362 = tpu.memref_slice %arg6[%dma_wait3A_359, %dma_wait3A_360, %dma_wait3A_361] : memref<7x16x1024xf32, #tpu.memory_space<vmem>> -> memref<1x16x1024xf32, #tpu.memory_space<vmem>>
    %dma_wait3A_363 = tpu.memref_squeeze %dma_wait3A_362 : memref<1x16x1024xf32, #tpu.memory_space<vmem>> -> memref<16x1024xf32, #tpu.memory_space<vmem>>
    %dma_wait3A_364 = arith.constant 96 : i32
    %dma_wait3A_365 = tpu.memref_slice %arg5[%dma_wait3A_364] : memref<256xi32, #tpu.memory_space<vmem>> -> memref<16xi32, #tpu.memory_space<vmem>>
    %dma_wait3A_366 = arith.constant 0 : i32
    %dma_wait3A_367 = arith.constant 0 : i32
    %dma_wait3A_368 = tpu.memref_slice %arg3[%dma_wait3A_366, %dma_wait3A_367] : memref<8192x1024xf32, #tpu.memory_space<hbm>> -> memref<8192x1024xf32, #tpu.memory_space<hbm>>
    tpu.wait_indirect_dma semaphore(%arg13 : memref<!tpu.dma_semaphore, #tpu.memory_space<semaphore_mem>>) src(%dma_wait3A_368 : memref<8192x1024xf32, #tpu.memory_space<hbm>>) dst(%dma_wait3A_363 : memref<16x1024xf32, #tpu.memory_space<vmem>>)
    %add3A_369 = arith.constant 96 : i32
    %add3A_370 = arith.addi %mul3A_2, %add3A_369 : i32
    %dma_start3A_371 = arith.constant 6 : i32
    %dma_start3A_372 = arith.constant 0 : i32
    %dma_start3A_373 = arith.constant 0 : i32
    %dma_start3A_374 = tpu.memref_slice %arg6[%dma_start3A_371, %dma_start3A_372, %dma_start3A_373] : memref<7x16x1024xf32, #tpu.memory_space<vmem>> -> memref<1x16x1024xf32, #tpu.memory_space<vmem>>
    %dma_start3A_375 = tpu.memref_squeeze %dma_start3A_374 : memref<1x16x1024xf32, #tpu.memory_space<vmem>> -> memref<16x1024xf32, #tpu.memory_space<vmem>>
    %dma_start3A_376 = arith.constant 0 : i32
    %dma_start3A_377 = tpu.memref_slice %arg4[%add3A_370, %dma_start3A_376] : memref<8192x1024xf32, #tpu.memory_space<hbm>> -> memref<16x1024xf32, #tpu.memory_space<hbm>>
    %dma_start3A_378 = arith.constant 0 : i32
    %dma_start3A_379 = tpu.memref_slice %arg4[%add3A_370, %dma_start3A_378] : memref<8192x1024xf32, #tpu.memory_space<hbm>> -> memref<16x1024xf32, #tpu.memory_space<hbm>>
    %dma_start3A_380 = arith.constant 0 : i32
    %dma_start3A_381 = arith.constant 0 : i32
    %dma_start3A_382 = tpu.memref_slice %arg6[%dma_start3A_371, %dma_start3A_380, %dma_start3A_381] : memref<7x16x1024xf32, #tpu.memory_space<vmem>> -> memref<1x16x1024xf32, #tpu.memory_space<vmem>>
    %dma_start3A_383 = tpu.memref_squeeze %dma_start3A_382 : memref<1x16x1024xf32, #tpu.memory_space<vmem>> -> memref<16x1024xf32, #tpu.memory_space<vmem>>
    tpu.enqueue_dma source(%dma_start3A_383 : memref<16x1024xf32, #tpu.memory_space<vmem>>) target(%dma_start3A_379 : memref<16x1024xf32, #tpu.memory_space<hbm>>) target_semaphore(%arg20 : memref<!tpu.dma_semaphore, #tpu.memory_space<semaphore_mem>>)
    %dma_wait3A_384 = arith.constant 6 : i32
    %dma_wait3A_385 = arith.constant 0 : i32
    %dma_wait3A_386 = arith.constant 0 : i32
    %dma_wait3A_387 = tpu.memref_slice %arg6[%dma_wait3A_384, %dma_wait3A_385, %dma_wait3A_386] : memref<7x16x1024xf32, #tpu.memory_space<vmem>> -> memref<1x16x1024xf32, #tpu.memory_space<vmem>>
    %dma_wait3A_388 = tpu.memref_squeeze %dma_wait3A_387 : memref<1x16x1024xf32, #tpu.memory_space<vmem>> -> memref<16x1024xf32, #tpu.memory_space<vmem>>
    %dma_wait3A_389 = arith.constant 0 : i32
    %dma_wait3A_390 = tpu.memref_slice %arg4[%add3A_370, %dma_wait3A_389] : memref<8192x1024xf32, #tpu.memory_space<hbm>> -> memref<16x1024xf32, #tpu.memory_space<hbm>>
    %dma_wait3A_391 = arith.constant 0 : i32
    %dma_wait3A_392 = tpu.memref_slice %arg4[%add3A_370, %dma_wait3A_391] : memref<8192x1024xf32, #tpu.memory_space<hbm>> -> memref<16x1024xf32, #tpu.memory_space<hbm>>
    %dma_wait3A_393 = arith.constant 0 : i32
    %dma_wait3A_394 = arith.constant 0 : i32
    %dma_wait3A_395 = tpu.memref_slice %arg6[%dma_wait3A_384, %dma_wait3A_393, %dma_wait3A_394] : memref<7x16x1024xf32, #tpu.memory_space<vmem>> -> memref<1x16x1024xf32, #tpu.memory_space<vmem>>
    %dma_wait3A_396 = tpu.memref_squeeze %dma_wait3A_395 : memref<1x16x1024xf32, #tpu.memory_space<vmem>> -> memref<16x1024xf32, #tpu.memory_space<vmem>>
    tpu.wait_dma2 semaphore(%arg20 : memref<!tpu.dma_semaphore, #tpu.memory_space<semaphore_mem>>) src(%dma_wait3A_396 : memref<16x1024xf32, #tpu.memory_space<vmem>>) dst(%dma_wait3A_392 : memref<16x1024xf32, #tpu.memory_space<hbm>>)
    %dma_start3A_397 = arith.constant 6 : i32
    %dma_start3A_398 = arith.constant 0 : i32
    %dma_start3A_399 = arith.constant 0 : i32
    %dma_start3A_400 = tpu.memref_slice %arg6[%dma_start3A_397, %dma_start3A_398, %dma_start3A_399] : memref<7x16x1024xf32, #tpu.memory_space<vmem>> -> memref<1x16x1024xf32, #tpu.memory_space<vmem>>
    %dma_start3A_401 = tpu.memref_squeeze %dma_start3A_400 : memref<1x16x1024xf32, #tpu.memory_space<vmem>> -> memref<16x1024xf32, #tpu.memory_space<vmem>>
    %dma_start3A_402 = arith.constant 208 : i32
    %dma_start3A_403 = tpu.memref_slice %arg5[%dma_start3A_402] : memref<256xi32, #tpu.memory_space<vmem>> -> memref<16xi32, #tpu.memory_space<vmem>>
    %dma_start3A_404 = arith.constant 0 : i32
    %dma_start3A_405 = arith.constant 0 : i32
    %dma_start3A_406 = tpu.memref_slice %arg3[%dma_start3A_404, %dma_start3A_405] : memref<8192x1024xf32, #tpu.memory_space<hbm>> -> memref<8192x1024xf32, #tpu.memory_space<hbm>>
    tpu.enqueue_indirect_dma source(%dma_start3A_406 : memref<8192x1024xf32, #tpu.memory_space<hbm>>) target(%dma_start3A_401 : memref<16x1024xf32, #tpu.memory_space<vmem>>) offsets(%dma_start3A_403 : memref<16xi32, #tpu.memory_space<vmem>>) semaphore(%arg13 : memref<!tpu.dma_semaphore, #tpu.memory_space<semaphore_mem>>)
    %dma_wait3A_407 = arith.constant 0 : i32
    %dma_wait3A_408 = arith.constant 0 : i32
    %dma_wait3A_409 = arith.constant 0 : i32
    %dma_wait3A_410 = tpu.memref_slice %arg6[%dma_wait3A_407, %dma_wait3A_408, %dma_wait3A_409] : memref<7x16x1024xf32, #tpu.memory_space<vmem>> -> memref<1x16x1024xf32, #tpu.memory_space<vmem>>
    %dma_wait3A_411 = tpu.memref_squeeze %dma_wait3A_410 : memref<1x16x1024xf32, #tpu.memory_space<vmem>> -> memref<16x1024xf32, #tpu.memory_space<vmem>>
    %dma_wait3A_412 = arith.constant 112 : i32
    %dma_wait3A_413 = tpu.memref_slice %arg5[%dma_wait3A_412] : memref<256xi32, #tpu.memory_space<vmem>> -> memref<16xi32, #tpu.memory_space<vmem>>
    %dma_wait3A_414 = arith.constant 0 : i32
    %dma_wait3A_415 = arith.constant 0 : i32
    %dma_wait3A_416 = tpu.memref_slice %arg3[%dma_wait3A_414, %dma_wait3A_415] : memref<8192x1024xf32, #tpu.memory_space<hbm>> -> memref<8192x1024xf32, #tpu.memory_space<hbm>>
    tpu.wait_indirect_dma semaphore(%arg7 : memref<!tpu.dma_semaphore, #tpu.memory_space<semaphore_mem>>) src(%dma_wait3A_416 : memref<8192x1024xf32, #tpu.memory_space<hbm>>) dst(%dma_wait3A_411 : memref<16x1024xf32, #tpu.memory_space<vmem>>)
    %add3A_417 = arith.constant 112 : i32
    %add3A_418 = arith.addi %mul3A_2, %add3A_417 : i32
    %dma_start3A_419 = arith.constant 0 : i32
    %dma_start3A_420 = arith.constant 0 : i32
    %dma_start3A_421 = arith.constant 0 : i32
    %dma_start3A_422 = tpu.memref_slice %arg6[%dma_start3A_419, %dma_start3A_420, %dma_start3A_421] : memref<7x16x1024xf32, #tpu.memory_space<vmem>> -> memref<1x16x1024xf32, #tpu.memory_space<vmem>>
    %dma_start3A_423 = tpu.memref_squeeze %dma_start3A_422 : memref<1x16x1024xf32, #tpu.memory_space<vmem>> -> memref<16x1024xf32, #tpu.memory_space<vmem>>
    %dma_start3A_424 = arith.constant 0 : i32
    %dma_start3A_425 = tpu.memref_slice %arg4[%add3A_418, %dma_start3A_424] : memref<8192x1024xf32, #tpu.memory_space<hbm>> -> memref<16x1024xf32, #tpu.memory_space<hbm>>
    %dma_start3A_426 = arith.constant 0 : i32
    %dma_start3A_427 = tpu.memref_slice %arg4[%add3A_418, %dma_start3A_426] : memref<8192x1024xf32, #tpu.memory_space<hbm>> -> memref<16x1024xf32, #tpu.memory_space<hbm>>
    %dma_start3A_428 = arith.constant 0 : i32
    %dma_start3A_429 = arith.constant 0 : i32
    %dma_start3A_430 = tpu.memref_slice %arg6[%dma_start3A_419, %dma_start3A_428, %dma_start3A_429] : memref<7x16x1024xf32, #tpu.memory_space<vmem>> -> memref<1x16x1024xf32, #tpu.memory_space<vmem>>
    %dma_start3A_431 = tpu.memref_squeeze %dma_start3A_430 : memref<1x16x1024xf32, #tpu.memory_space<vmem>> -> memref<16x1024xf32, #tpu.memory_space<vmem>>
    tpu.enqueue_dma source(%dma_start3A_431 : memref<16x1024xf32, #tpu.memory_space<vmem>>) target(%dma_start3A_427 : memref<16x1024xf32, #tpu.memory_space<hbm>>) target_semaphore(%arg14 : memref<!tpu.dma_semaphore, #tpu.memory_space<semaphore_mem>>)
    %dma_wait3A_432 = arith.constant 0 : i32
    %dma_wait3A_433 = arith.constant 0 : i32
    %dma_wait3A_434 = arith.constant 0 : i32
    %dma_wait3A_435 = tpu.memref_slice %arg6[%dma_wait3A_432, %dma_wait3A_433, %dma_wait3A_434] : memref<7x16x1024xf32, #tpu.memory_space<vmem>> -> memref<1x16x1024xf32, #tpu.memory_space<vmem>>
    %dma_wait3A_436 = tpu.memref_squeeze %dma_wait3A_435 : memref<1x16x1024xf32, #tpu.memory_space<vmem>> -> memref<16x1024xf32, #tpu.memory_space<vmem>>
    %dma_wait3A_437 = arith.constant 0 : i32
    %dma_wait3A_438 = tpu.memref_slice %arg4[%add3A_418, %dma_wait3A_437] : memref<8192x1024xf32, #tpu.memory_space<hbm>> -> memref<16x1024xf32, #tpu.memory_space<hbm>>
    %dma_wait3A_439 = arith.constant 0 : i32
    %dma_wait3A_440 = tpu.memref_slice %arg4[%add3A_418, %dma_wait3A_439] : memref<8192x1024xf32, #tpu.memory_space<hbm>> -> memref<16x1024xf32, #tpu.memory_space<hbm>>
    %dma_wait3A_441 = arith.constant 0 : i32
    %dma_wait3A_442 = arith.constant 0 : i32
    %dma_wait3A_443 = tpu.memref_slice %arg6[%dma_wait3A_432, %dma_wait3A_441, %dma_wait3A_442] : memref<7x16x1024xf32, #tpu.memory_space<vmem>> -> memref<1x16x1024xf32, #tpu.memory_space<vmem>>
    %dma_wait3A_444 = tpu.memref_squeeze %dma_wait3A_443 : memref<1x16x1024xf32, #tpu.memory_space<vmem>> -> memref<16x1024xf32, #tpu.memory_space<vmem>>
    tpu.wait_dma2 semaphore(%arg14 : memref<!tpu.dma_semaphore, #tpu.memory_space<semaphore_mem>>) src(%dma_wait3A_444 : memref<16x1024xf32, #tpu.memory_space<vmem>>) dst(%dma_wait3A_440 : memref<16x1024xf32, #tpu.memory_space<hbm>>)
    %dma_start3A_445 = arith.constant 0 : i32
    %dma_start3A_446 = arith.constant 0 : i32
    %dma_start3A_447 = arith.constant 0 : i32
    %dma_start3A_448 = tpu.memref_slice %arg6[%dma_start3A_445, %dma_start3A_446, %dma_start3A_447] : memref<7x16x1024xf32, #tpu.memory_space<vmem>> -> memref<1x16x1024xf32, #tpu.memory_space<vmem>>
    %dma_start3A_449 = tpu.memref_squeeze %dma_start3A_448 : memref<1x16x1024xf32, #tpu.memory_space<vmem>> -> memref<16x1024xf32, #tpu.memory_space<vmem>>
    %dma_start3A_450 = arith.constant 224 : i32
    %dma_start3A_451 = tpu.memref_slice %arg5[%dma_start3A_450] : memref<256xi32, #tpu.memory_space<vmem>> -> memref<16xi32, #tpu.memory_space<vmem>>
    %dma_start3A_452 = arith.constant 0 : i32
    %dma_start3A_453 = arith.constant 0 : i32
    %dma_start3A_454 = tpu.memref_slice %arg3[%dma_start3A_452, %dma_start3A_453] : memref<8192x1024xf32, #tpu.memory_space<hbm>> -> memref<8192x1024xf32, #tpu.memory_space<hbm>>
    tpu.enqueue_indirect_dma source(%dma_start3A_454 : memref<8192x1024xf32, #tpu.memory_space<hbm>>) target(%dma_start3A_449 : memref<16x1024xf32, #tpu.memory_space<vmem>>) offsets(%dma_start3A_451 : memref<16xi32, #tpu.memory_space<vmem>>) semaphore(%arg7 : memref<!tpu.dma_semaphore, #tpu.memory_space<semaphore_mem>>)
    %dma_wait3A_455 = arith.constant 1 : i32
    %dma_wait3A_456 = arith.constant 0 : i32
    %dma_wait3A_457 = arith.constant 0 : i32
    %dma_wait3A_458 = tpu.memref_slice %arg6[%dma_wait3A_455, %dma_wait3A_456, %dma_wait3A_457] : memref<7x16x1024xf32, #tpu.memory_space<vmem>> -> memref<1x16x1024xf32, #tpu.memory_space<vmem>>
    %dma_wait3A_459 = tpu.memref_squeeze %dma_wait3A_458 : memref<1x16x1024xf32, #tpu.memory_space<vmem>> -> memref<16x1024xf32, #tpu.memory_space<vmem>>
    %dma_wait3A_460 = arith.constant 128 : i32
    %dma_wait3A_461 = tpu.memref_slice %arg5[%dma_wait3A_460] : memref<256xi32, #tpu.memory_space<vmem>> -> memref<16xi32, #tpu.memory_space<vmem>>
    %dma_wait3A_462 = arith.constant 0 : i32
    %dma_wait3A_463 = arith.constant 0 : i32
    %dma_wait3A_464 = tpu.memref_slice %arg3[%dma_wait3A_462, %dma_wait3A_463] : memref<8192x1024xf32, #tpu.memory_space<hbm>> -> memref<8192x1024xf32, #tpu.memory_space<hbm>>
    tpu.wait_indirect_dma semaphore(%arg8 : memref<!tpu.dma_semaphore, #tpu.memory_space<semaphore_mem>>) src(%dma_wait3A_464 : memref<8192x1024xf32, #tpu.memory_space<hbm>>) dst(%dma_wait3A_459 : memref<16x1024xf32, #tpu.memory_space<vmem>>)
    %add3A_465 = arith.constant 128 : i32
    %add3A_466 = arith.addi %mul3A_2, %add3A_465 : i32
    %dma_start3A_467 = arith.constant 1 : i32
    %dma_start3A_468 = arith.constant 0 : i32
    %dma_start3A_469 = arith.constant 0 : i32
    %dma_start3A_470 = tpu.memref_slice %arg6[%dma_start3A_467, %dma_start3A_468, %dma_start3A_469] : memref<7x16x1024xf32, #tpu.memory_space<vmem>> -> memref<1x16x1024xf32, #tpu.memory_space<vmem>>
    %dma_start3A_471 = tpu.memref_squeeze %dma_start3A_470 : memref<1x16x1024xf32, #tpu.memory_space<vmem>> -> memref<16x1024xf32, #tpu.memory_space<vmem>>
    %dma_start3A_472 = arith.constant 0 : i32
    %dma_start3A_473 = tpu.memref_slice %arg4[%add3A_466, %dma_start3A_472] : memref<8192x1024xf32, #tpu.memory_space<hbm>> -> memref<16x1024xf32, #tpu.memory_space<hbm>>
    %dma_start3A_474 = arith.constant 0 : i32
    %dma_start3A_475 = tpu.memref_slice %arg4[%add3A_466, %dma_start3A_474] : memref<8192x1024xf32, #tpu.memory_space<hbm>> -> memref<16x1024xf32, #tpu.memory_space<hbm>>
    %dma_start3A_476 = arith.constant 0 : i32
    %dma_start3A_477 = arith.constant 0 : i32
    %dma_start3A_478 = tpu.memref_slice %arg6[%dma_start3A_467, %dma_start3A_476, %dma_start3A_477] : memref<7x16x1024xf32, #tpu.memory_space<vmem>> -> memref<1x16x1024xf32, #tpu.memory_space<vmem>>
    %dma_start3A_479 = tpu.memref_squeeze %dma_start3A_478 : memref<1x16x1024xf32, #tpu.memory_space<vmem>> -> memref<16x1024xf32, #tpu.memory_space<vmem>>
    tpu.enqueue_dma source(%dma_start3A_479 : memref<16x1024xf32, #tpu.memory_space<vmem>>) target(%dma_start3A_475 : memref<16x1024xf32, #tpu.memory_space<hbm>>) target_semaphore(%arg15 : memref<!tpu.dma_semaphore, #tpu.memory_space<semaphore_mem>>)
    %dma_wait3A_480 = arith.constant 1 : i32
    %dma_wait3A_481 = arith.constant 0 : i32
    %dma_wait3A_482 = arith.constant 0 : i32
    %dma_wait3A_483 = tpu.memref_slice %arg6[%dma_wait3A_480, %dma_wait3A_481, %dma_wait3A_482] : memref<7x16x1024xf32, #tpu.memory_space<vmem>> -> memref<1x16x1024xf32, #tpu.memory_space<vmem>>
    %dma_wait3A_484 = tpu.memref_squeeze %dma_wait3A_483 : memref<1x16x1024xf32, #tpu.memory_space<vmem>> -> memref<16x1024xf32, #tpu.memory_space<vmem>>
    %dma_wait3A_485 = arith.constant 0 : i32
    %dma_wait3A_486 = tpu.memref_slice %arg4[%add3A_466, %dma_wait3A_485] : memref<8192x1024xf32, #tpu.memory_space<hbm>> -> memref<16x1024xf32, #tpu.memory_space<hbm>>
    %dma_wait3A_487 = arith.constant 0 : i32
    %dma_wait3A_488 = tpu.memref_slice %arg4[%add3A_466, %dma_wait3A_487] : memref<8192x1024xf32, #tpu.memory_space<hbm>> -> memref<16x1024xf32, #tpu.memory_space<hbm>>
    %dma_wait3A_489 = arith.constant 0 : i32
    %dma_wait3A_490 = arith.constant 0 : i32
    %dma_wait3A_491 = tpu.memref_slice %arg6[%dma_wait3A_480, %dma_wait3A_489, %dma_wait3A_490] : memref<7x16x1024xf32, #tpu.memory_space<vmem>> -> memref<1x16x1024xf32, #tpu.memory_space<vmem>>
    %dma_wait3A_492 = tpu.memref_squeeze %dma_wait3A_491 : memref<1x16x1024xf32, #tpu.memory_space<vmem>> -> memref<16x1024xf32, #tpu.memory_space<vmem>>
    tpu.wait_dma2 semaphore(%arg15 : memref<!tpu.dma_semaphore, #tpu.memory_space<semaphore_mem>>) src(%dma_wait3A_492 : memref<16x1024xf32, #tpu.memory_space<vmem>>) dst(%dma_wait3A_488 : memref<16x1024xf32, #tpu.memory_space<hbm>>)
    %dma_start3A_493 = arith.constant 1 : i32
    %dma_start3A_494 = arith.constant 0 : i32
    %dma_start3A_495 = arith.constant 0 : i32
    %dma_start3A_496 = tpu.memref_slice %arg6[%dma_start3A_493, %dma_start3A_494, %dma_start3A_495] : memref<7x16x1024xf32, #tpu.memory_space<vmem>> -> memref<1x16x1024xf32, #tpu.memory_space<vmem>>
    %dma_start3A_497 = tpu.memref_squeeze %dma_start3A_496 : memref<1x16x1024xf32, #tpu.memory_space<vmem>> -> memref<16x1024xf32, #tpu.memory_space<vmem>>
    %dma_start3A_498 = arith.constant 240 : i32
    %dma_start3A_499 = tpu.memref_slice %arg5[%dma_start3A_498] : memref<256xi32, #tpu.memory_space<vmem>> -> memref<16xi32, #tpu.memory_space<vmem>>
    %dma_start3A_500 = arith.constant 0 : i32
    %dma_start3A_501 = arith.constant 0 : i32
    %dma_start3A_502 = tpu.memref_slice %arg3[%dma_start3A_500, %dma_start3A_501] : memref<8192x1024xf32, #tpu.memory_space<hbm>> -> memref<8192x1024xf32, #tpu.memory_space<hbm>>
    tpu.enqueue_indirect_dma source(%dma_start3A_502 : memref<8192x1024xf32, #tpu.memory_space<hbm>>) target(%dma_start3A_497 : memref<16x1024xf32, #tpu.memory_space<vmem>>) offsets(%dma_start3A_499 : memref<16xi32, #tpu.memory_space<vmem>>) semaphore(%arg8 : memref<!tpu.dma_semaphore, #tpu.memory_space<semaphore_mem>>)
    %dma_wait3A_503 = arith.constant 2 : i32
    %dma_wait3A_504 = arith.constant 0 : i32
    %dma_wait3A_505 = arith.constant 0 : i32
    %dma_wait3A_506 = tpu.memref_slice %arg6[%dma_wait3A_503, %dma_wait3A_504, %dma_wait3A_505] : memref<7x16x1024xf32, #tpu.memory_space<vmem>> -> memref<1x16x1024xf32, #tpu.memory_space<vmem>>
    %dma_wait3A_507 = tpu.memref_squeeze %dma_wait3A_506 : memref<1x16x1024xf32, #tpu.memory_space<vmem>> -> memref<16x1024xf32, #tpu.memory_space<vmem>>
    %dma_wait3A_508 = arith.constant 144 : i32
    %dma_wait3A_509 = tpu.memref_slice %arg5[%dma_wait3A_508] : memref<256xi32, #tpu.memory_space<vmem>> -> memref<16xi32, #tpu.memory_space<vmem>>
    %dma_wait3A_510 = arith.constant 0 : i32
    %dma_wait3A_511 = arith.constant 0 : i32
    %dma_wait3A_512 = tpu.memref_slice %arg3[%dma_wait3A_510, %dma_wait3A_511] : memref<8192x1024xf32, #tpu.memory_space<hbm>> -> memref<8192x1024xf32, #tpu.memory_space<hbm>>
    tpu.wait_indirect_dma semaphore(%arg9 : memref<!tpu.dma_semaphore, #tpu.memory_space<semaphore_mem>>) src(%dma_wait3A_512 : memref<8192x1024xf32, #tpu.memory_space<hbm>>) dst(%dma_wait3A_507 : memref<16x1024xf32, #tpu.memory_space<vmem>>)
    %add3A_513 = arith.constant 144 : i32
    %add3A_514 = arith.addi %mul3A_2, %add3A_513 : i32
    %dma_start3A_515 = arith.constant 2 : i32
    %dma_start3A_516 = arith.constant 0 : i32
    %dma_start3A_517 = arith.constant 0 : i32
    %dma_start3A_518 = tpu.memref_slice %arg6[%dma_start3A_515, %dma_start3A_516, %dma_start3A_517] : memref<7x16x1024xf32, #tpu.memory_space<vmem>> -> memref<1x16x1024xf32, #tpu.memory_space<vmem>>
    %dma_start3A_519 = tpu.memref_squeeze %dma_start3A_518 : memref<1x16x1024xf32, #tpu.memory_space<vmem>> -> memref<16x1024xf32, #tpu.memory_space<vmem>>
    %dma_start3A_520 = arith.constant 0 : i32
    %dma_start3A_521 = tpu.memref_slice %arg4[%add3A_514, %dma_start3A_520] : memref<8192x1024xf32, #tpu.memory_space<hbm>> -> memref<16x1024xf32, #tpu.memory_space<hbm>>
    %dma_start3A_522 = arith.constant 0 : i32
    %dma_start3A_523 = tpu.memref_slice %arg4[%add3A_514, %dma_start3A_522] : memref<8192x1024xf32, #tpu.memory_space<hbm>> -> memref<16x1024xf32, #tpu.memory_space<hbm>>
    %dma_start3A_524 = arith.constant 0 : i32
    %dma_start3A_525 = arith.constant 0 : i32
    %dma_start3A_526 = tpu.memref_slice %arg6[%dma_start3A_515, %dma_start3A_524, %dma_start3A_525] : memref<7x16x1024xf32, #tpu.memory_space<vmem>> -> memref<1x16x1024xf32, #tpu.memory_space<vmem>>
    %dma_start3A_527 = tpu.memref_squeeze %dma_start3A_526 : memref<1x16x1024xf32, #tpu.memory_space<vmem>> -> memref<16x1024xf32, #tpu.memory_space<vmem>>
    tpu.enqueue_dma source(%dma_start3A_527 : memref<16x1024xf32, #tpu.memory_space<vmem>>) target(%dma_start3A_523 : memref<16x1024xf32, #tpu.memory_space<hbm>>) target_semaphore(%arg16 : memref<!tpu.dma_semaphore, #tpu.memory_space<semaphore_mem>>)
    %dma_wait3A_528 = arith.constant 3 : i32
    %dma_wait3A_529 = arith.constant 0 : i32
    %dma_wait3A_530 = arith.constant 0 : i32
    %dma_wait3A_531 = tpu.memref_slice %arg6[%dma_wait3A_528, %dma_wait3A_529, %dma_wait3A_530] : memref<7x16x1024xf32, #tpu.memory_space<vmem>> -> memref<1x16x1024xf32, #tpu.memory_space<vmem>>
    %dma_wait3A_532 = tpu.memref_squeeze %dma_wait3A_531 : memref<1x16x1024xf32, #tpu.memory_space<vmem>> -> memref<16x1024xf32, #tpu.memory_space<vmem>>
    %dma_wait3A_533 = arith.constant 160 : i32
    %dma_wait3A_534 = tpu.memref_slice %arg5[%dma_wait3A_533] : memref<256xi32, #tpu.memory_space<vmem>> -> memref<16xi32, #tpu.memory_space<vmem>>
    %dma_wait3A_535 = arith.constant 0 : i32
    %dma_wait3A_536 = arith.constant 0 : i32
    %dma_wait3A_537 = tpu.memref_slice %arg3[%dma_wait3A_535, %dma_wait3A_536] : memref<8192x1024xf32, #tpu.memory_space<hbm>> -> memref<8192x1024xf32, #tpu.memory_space<hbm>>
    tpu.wait_indirect_dma semaphore(%arg10 : memref<!tpu.dma_semaphore, #tpu.memory_space<semaphore_mem>>) src(%dma_wait3A_537 : memref<8192x1024xf32, #tpu.memory_space<hbm>>) dst(%dma_wait3A_532 : memref<16x1024xf32, #tpu.memory_space<vmem>>)
    %add3A_538 = arith.constant 160 : i32
    %add3A_539 = arith.addi %mul3A_2, %add3A_538 : i32
    %dma_start3A_540 = arith.constant 3 : i32
    %dma_start3A_541 = arith.constant 0 : i32
    %dma_start3A_542 = arith.constant 0 : i32
    %dma_start3A_543 = tpu.memref_slice %arg6[%dma_start3A_540, %dma_start3A_541, %dma_start3A_542] : memref<7x16x1024xf32, #tpu.memory_space<vmem>> -> memref<1x16x1024xf32, #tpu.memory_space<vmem>>
    %dma_start3A_544 = tpu.memref_squeeze %dma_start3A_543 : memref<1x16x1024xf32, #tpu.memory_space<vmem>> -> memref<16x1024xf32, #tpu.memory_space<vmem>>
    %dma_start3A_545 = arith.constant 0 : i32
    %dma_start3A_546 = tpu.memref_slice %arg4[%add3A_539, %dma_start3A_545] : memref<8192x1024xf32, #tpu.memory_space<hbm>> -> memref<16x1024xf32, #tpu.memory_space<hbm>>
    %dma_start3A_547 = arith.constant 0 : i32
    %dma_start3A_548 = tpu.memref_slice %arg4[%add3A_539, %dma_start3A_547] : memref<8192x1024xf32, #tpu.memory_space<hbm>> -> memref<16x1024xf32, #tpu.memory_space<hbm>>
    %dma_start3A_549 = arith.constant 0 : i32
    %dma_start3A_550 = arith.constant 0 : i32
    %dma_start3A_551 = tpu.memref_slice %arg6[%dma_start3A_540, %dma_start3A_549, %dma_start3A_550] : memref<7x16x1024xf32, #tpu.memory_space<vmem>> -> memref<1x16x1024xf32, #tpu.memory_space<vmem>>
    %dma_start3A_552 = tpu.memref_squeeze %dma_start3A_551 : memref<1x16x1024xf32, #tpu.memory_space<vmem>> -> memref<16x1024xf32, #tpu.memory_space<vmem>>
    tpu.enqueue_dma source(%dma_start3A_552 : memref<16x1024xf32, #tpu.memory_space<vmem>>) target(%dma_start3A_548 : memref<16x1024xf32, #tpu.memory_space<hbm>>) target_semaphore(%arg17 : memref<!tpu.dma_semaphore, #tpu.memory_space<semaphore_mem>>)
    %dma_wait3A_553 = arith.constant 4 : i32
    %dma_wait3A_554 = arith.constant 0 : i32
    %dma_wait3A_555 = arith.constant 0 : i32
    %dma_wait3A_556 = tpu.memref_slice %arg6[%dma_wait3A_553, %dma_wait3A_554, %dma_wait3A_555] : memref<7x16x1024xf32, #tpu.memory_space<vmem>> -> memref<1x16x1024xf32, #tpu.memory_space<vmem>>
    %dma_wait3A_557 = tpu.memref_squeeze %dma_wait3A_556 : memref<1x16x1024xf32, #tpu.memory_space<vmem>> -> memref<16x1024xf32, #tpu.memory_space<vmem>>
    %dma_wait3A_558 = arith.constant 176 : i32
    %dma_wait3A_559 = tpu.memref_slice %arg5[%dma_wait3A_558] : memref<256xi32, #tpu.memory_space<vmem>> -> memref<16xi32, #tpu.memory_space<vmem>>
    %dma_wait3A_560 = arith.constant 0 : i32
    %dma_wait3A_561 = arith.constant 0 : i32
    %dma_wait3A_562 = tpu.memref_slice %arg3[%dma_wait3A_560, %dma_wait3A_561] : memref<8192x1024xf32, #tpu.memory_space<hbm>> -> memref<8192x1024xf32, #tpu.memory_space<hbm>>
    tpu.wait_indirect_dma semaphore(%arg11 : memref<!tpu.dma_semaphore, #tpu.memory_space<semaphore_mem>>) src(%dma_wait3A_562 : memref<8192x1024xf32, #tpu.memory_space<hbm>>) dst(%dma_wait3A_557 : memref<16x1024xf32, #tpu.memory_space<vmem>>)
    %add3A_563 = arith.constant 176 : i32
    %add3A_564 = arith.addi %mul3A_2, %add3A_563 : i32
    %dma_start3A_565 = arith.constant 4 : i32
    %dma_start3A_566 = arith.constant 0 : i32
    %dma_start3A_567 = arith.constant 0 : i32
    %dma_start3A_568 = tpu.memref_slice %arg6[%dma_start3A_565, %dma_start3A_566, %dma_start3A_567] : memref<7x16x1024xf32, #tpu.memory_space<vmem>> -> memref<1x16x1024xf32, #tpu.memory_space<vmem>>
    %dma_start3A_569 = tpu.memref_squeeze %dma_start3A_568 : memref<1x16x1024xf32, #tpu.memory_space<vmem>> -> memref<16x1024xf32, #tpu.memory_space<vmem>>
    %dma_start3A_570 = arith.constant 0 : i32
    %dma_start3A_571 = tpu.memref_slice %arg4[%add3A_564, %dma_start3A_570] : memref<8192x1024xf32, #tpu.memory_space<hbm>> -> memref<16x1024xf32, #tpu.memory_space<hbm>>
    %dma_start3A_572 = arith.constant 0 : i32
    %dma_start3A_573 = tpu.memref_slice %arg4[%add3A_564, %dma_start3A_572] : memref<8192x1024xf32, #tpu.memory_space<hbm>> -> memref<16x1024xf32, #tpu.memory_space<hbm>>
    %dma_start3A_574 = arith.constant 0 : i32
    %dma_start3A_575 = arith.constant 0 : i32
    %dma_start3A_576 = tpu.memref_slice %arg6[%dma_start3A_565, %dma_start3A_574, %dma_start3A_575] : memref<7x16x1024xf32, #tpu.memory_space<vmem>> -> memref<1x16x1024xf32, #tpu.memory_space<vmem>>
    %dma_start3A_577 = tpu.memref_squeeze %dma_start3A_576 : memref<1x16x1024xf32, #tpu.memory_space<vmem>> -> memref<16x1024xf32, #tpu.memory_space<vmem>>
    tpu.enqueue_dma source(%dma_start3A_577 : memref<16x1024xf32, #tpu.memory_space<vmem>>) target(%dma_start3A_573 : memref<16x1024xf32, #tpu.memory_space<hbm>>) target_semaphore(%arg18 : memref<!tpu.dma_semaphore, #tpu.memory_space<semaphore_mem>>)
    %dma_wait3A_578 = arith.constant 5 : i32
    %dma_wait3A_579 = arith.constant 0 : i32
    %dma_wait3A_580 = arith.constant 0 : i32
    %dma_wait3A_581 = tpu.memref_slice %arg6[%dma_wait3A_578, %dma_wait3A_579, %dma_wait3A_580] : memref<7x16x1024xf32, #tpu.memory_space<vmem>> -> memref<1x16x1024xf32, #tpu.memory_space<vmem>>
    %dma_wait3A_582 = tpu.memref_squeeze %dma_wait3A_581 : memref<1x16x1024xf32, #tpu.memory_space<vmem>> -> memref<16x1024xf32, #tpu.memory_space<vmem>>
    %dma_wait3A_583 = arith.constant 192 : i32
    %dma_wait3A_584 = tpu.memref_slice %arg5[%dma_wait3A_583] : memref<256xi32, #tpu.memory_space<vmem>> -> memref<16xi32, #tpu.memory_space<vmem>>
    %dma_wait3A_585 = arith.constant 0 : i32
    %dma_wait3A_586 = arith.constant 0 : i32
    %dma_wait3A_587 = tpu.memref_slice %arg3[%dma_wait3A_585, %dma_wait3A_586] : memref<8192x1024xf32, #tpu.memory_space<hbm>> -> memref<8192x1024xf32, #tpu.memory_space<hbm>>
    tpu.wait_indirect_dma semaphore(%arg12 : memref<!tpu.dma_semaphore, #tpu.memory_space<semaphore_mem>>) src(%dma_wait3A_587 : memref<8192x1024xf32, #tpu.memory_space<hbm>>) dst(%dma_wait3A_582 : memref<16x1024xf32, #tpu.memory_space<vmem>>)
    %add3A_588 = arith.constant 192 : i32
    %add3A_589 = arith.addi %mul3A_2, %add3A_588 : i32
    %dma_start3A_590 = arith.constant 5 : i32
    %dma_start3A_591 = arith.constant 0 : i32
    %dma_start3A_592 = arith.constant 0 : i32
    %dma_start3A_593 = tpu.memref_slice %arg6[%dma_start3A_590, %dma_start3A_591, %dma_start3A_592] : memref<7x16x1024xf32, #tpu.memory_space<vmem>> -> memref<1x16x1024xf32, #tpu.memory_space<vmem>>
    %dma_start3A_594 = tpu.memref_squeeze %dma_start3A_593 : memref<1x16x1024xf32, #tpu.memory_space<vmem>> -> memref<16x1024xf32, #tpu.memory_space<vmem>>
    %dma_start3A_595 = arith.constant 0 : i32
    %dma_start3A_596 = tpu.memref_slice %arg4[%add3A_589, %dma_start3A_595] : memref<8192x1024xf32, #tpu.memory_space<hbm>> -> memref<16x1024xf32, #tpu.memory_space<hbm>>
    %dma_start3A_597 = arith.constant 0 : i32
    %dma_start3A_598 = tpu.memref_slice %arg4[%add3A_589, %dma_start3A_597] : memref<8192x1024xf32, #tpu.memory_space<hbm>> -> memref<16x1024xf32, #tpu.memory_space<hbm>>
    %dma_start3A_599 = arith.constant 0 : i32
    %dma_start3A_600 = arith.constant 0 : i32
    %dma_start3A_601 = tpu.memref_slice %arg6[%dma_start3A_590, %dma_start3A_599, %dma_start3A_600] : memref<7x16x1024xf32, #tpu.memory_space<vmem>> -> memref<1x16x1024xf32, #tpu.memory_space<vmem>>
    %dma_start3A_602 = tpu.memref_squeeze %dma_start3A_601 : memref<1x16x1024xf32, #tpu.memory_space<vmem>> -> memref<16x1024xf32, #tpu.memory_space<vmem>>
    tpu.enqueue_dma source(%dma_start3A_602 : memref<16x1024xf32, #tpu.memory_space<vmem>>) target(%dma_start3A_598 : memref<16x1024xf32, #tpu.memory_space<hbm>>) target_semaphore(%arg19 : memref<!tpu.dma_semaphore, #tpu.memory_space<semaphore_mem>>)
    %dma_wait3A_603 = arith.constant 6 : i32
    %dma_wait3A_604 = arith.constant 0 : i32
    %dma_wait3A_605 = arith.constant 0 : i32
    %dma_wait3A_606 = tpu.memref_slice %arg6[%dma_wait3A_603, %dma_wait3A_604, %dma_wait3A_605] : memref<7x16x1024xf32, #tpu.memory_space<vmem>> -> memref<1x16x1024xf32, #tpu.memory_space<vmem>>
    %dma_wait3A_607 = tpu.memref_squeeze %dma_wait3A_606 : memref<1x16x1024xf32, #tpu.memory_space<vmem>> -> memref<16x1024xf32, #tpu.memory_space<vmem>>
    %dma_wait3A_608 = arith.constant 208 : i32
    %dma_wait3A_609 = tpu.memref_slice %arg5[%dma_wait3A_608] : memref<256xi32, #tpu.memory_space<vmem>> -> memref<16xi32, #tpu.memory_space<vmem>>
    %dma_wait3A_610 = arith.constant 0 : i32
    %dma_wait3A_611 = arith.constant 0 : i32
    %dma_wait3A_612 = tpu.memref_slice %arg3[%dma_wait3A_610, %dma_wait3A_611] : memref<8192x1024xf32, #tpu.memory_space<hbm>> -> memref<8192x1024xf32, #tpu.memory_space<hbm>>
    tpu.wait_indirect_dma semaphore(%arg13 : memref<!tpu.dma_semaphore, #tpu.memory_space<semaphore_mem>>) src(%dma_wait3A_612 : memref<8192x1024xf32, #tpu.memory_space<hbm>>) dst(%dma_wait3A_607 : memref<16x1024xf32, #tpu.memory_space<vmem>>)
    %add3A_613 = arith.constant 208 : i32
    %add3A_614 = arith.addi %mul3A_2, %add3A_613 : i32
    %dma_start3A_615 = arith.constant 6 : i32
    %dma_start3A_616 = arith.constant 0 : i32
    %dma_start3A_617 = arith.constant 0 : i32
    %dma_start3A_618 = tpu.memref_slice %arg6[%dma_start3A_615, %dma_start3A_616, %dma_start3A_617] : memref<7x16x1024xf32, #tpu.memory_space<vmem>> -> memref<1x16x1024xf32, #tpu.memory_space<vmem>>
    %dma_start3A_619 = tpu.memref_squeeze %dma_start3A_618 : memref<1x16x1024xf32, #tpu.memory_space<vmem>> -> memref<16x1024xf32, #tpu.memory_space<vmem>>
    %dma_start3A_620 = arith.constant 0 : i32
    %dma_start3A_621 = tpu.memref_slice %arg4[%add3A_614, %dma_start3A_620] : memref<8192x1024xf32, #tpu.memory_space<hbm>> -> memref<16x1024xf32, #tpu.memory_space<hbm>>
    %dma_start3A_622 = arith.constant 0 : i32
    %dma_start3A_623 = tpu.memref_slice %arg4[%add3A_614, %dma_start3A_622] : memref<8192x1024xf32, #tpu.memory_space<hbm>> -> memref<16x1024xf32, #tpu.memory_space<hbm>>
    %dma_start3A_624 = arith.constant 0 : i32
    %dma_start3A_625 = arith.constant 0 : i32
    %dma_start3A_626 = tpu.memref_slice %arg6[%dma_start3A_615, %dma_start3A_624, %dma_start3A_625] : memref<7x16x1024xf32, #tpu.memory_space<vmem>> -> memref<1x16x1024xf32, #tpu.memory_space<vmem>>
    %dma_start3A_627 = tpu.memref_squeeze %dma_start3A_626 : memref<1x16x1024xf32, #tpu.memory_space<vmem>> -> memref<16x1024xf32, #tpu.memory_space<vmem>>
    tpu.enqueue_dma source(%dma_start3A_627 : memref<16x1024xf32, #tpu.memory_space<vmem>>) target(%dma_start3A_623 : memref<16x1024xf32, #tpu.memory_space<hbm>>) target_semaphore(%arg20 : memref<!tpu.dma_semaphore, #tpu.memory_space<semaphore_mem>>)
    %dma_wait3A_628 = arith.constant 0 : i32
    %dma_wait3A_629 = arith.constant 0 : i32
    %dma_wait3A_630 = arith.constant 0 : i32
    %dma_wait3A_631 = tpu.memref_slice %arg6[%dma_wait3A_628, %dma_wait3A_629, %dma_wait3A_630] : memref<7x16x1024xf32, #tpu.memory_space<vmem>> -> memref<1x16x1024xf32, #tpu.memory_space<vmem>>
    %dma_wait3A_632 = tpu.memref_squeeze %dma_wait3A_631 : memref<1x16x1024xf32, #tpu.memory_space<vmem>> -> memref<16x1024xf32, #tpu.memory_space<vmem>>
    %dma_wait3A_633 = arith.constant 224 : i32
    %dma_wait3A_634 = tpu.memref_slice %arg5[%dma_wait3A_633] : memref<256xi32, #tpu.memory_space<vmem>> -> memref<16xi32, #tpu.memory_space<vmem>>
    %dma_wait3A_635 = arith.constant 0 : i32
    %dma_wait3A_636 = arith.constant 0 : i32
    %dma_wait3A_637 = tpu.memref_slice %arg3[%dma_wait3A_635, %dma_wait3A_636] : memref<8192x1024xf32, #tpu.memory_space<hbm>> -> memref<8192x1024xf32, #tpu.memory_space<hbm>>
    tpu.wait_indirect_dma semaphore(%arg7 : memref<!tpu.dma_semaphore, #tpu.memory_space<semaphore_mem>>) src(%dma_wait3A_637 : memref<8192x1024xf32, #tpu.memory_space<hbm>>) dst(%dma_wait3A_632 : memref<16x1024xf32, #tpu.memory_space<vmem>>)
    %add3A_638 = arith.constant 224 : i32
    %add3A_639 = arith.addi %mul3A_2, %add3A_638 : i32
    %dma_start3A_640 = arith.constant 0 : i32
    %dma_start3A_641 = arith.constant 0 : i32
    %dma_start3A_642 = arith.constant 0 : i32
    %dma_start3A_643 = tpu.memref_slice %arg6[%dma_start3A_640, %dma_start3A_641, %dma_start3A_642] : memref<7x16x1024xf32, #tpu.memory_space<vmem>> -> memref<1x16x1024xf32, #tpu.memory_space<vmem>>
    %dma_start3A_644 = tpu.memref_squeeze %dma_start3A_643 : memref<1x16x1024xf32, #tpu.memory_space<vmem>> -> memref<16x1024xf32, #tpu.memory_space<vmem>>
    %dma_start3A_645 = arith.constant 0 : i32
    %dma_start3A_646 = tpu.memref_slice %arg4[%add3A_639, %dma_start3A_645] : memref<8192x1024xf32, #tpu.memory_space<hbm>> -> memref<16x1024xf32, #tpu.memory_space<hbm>>
    %dma_start3A_647 = arith.constant 0 : i32
    %dma_start3A_648 = tpu.memref_slice %arg4[%add3A_639, %dma_start3A_647] : memref<8192x1024xf32, #tpu.memory_space<hbm>> -> memref<16x1024xf32, #tpu.memory_space<hbm>>
    %dma_start3A_649 = arith.constant 0 : i32
    %dma_start3A_650 = arith.constant 0 : i32
    %dma_start3A_651 = tpu.memref_slice %arg6[%dma_start3A_640, %dma_start3A_649, %dma_start3A_650] : memref<7x16x1024xf32, #tpu.memory_space<vmem>> -> memref<1x16x1024xf32, #tpu.memory_space<vmem>>
    %dma_start3A_652 = tpu.memref_squeeze %dma_start3A_651 : memref<1x16x1024xf32, #tpu.memory_space<vmem>> -> memref<16x1024xf32, #tpu.memory_space<vmem>>
    tpu.enqueue_dma source(%dma_start3A_652 : memref<16x1024xf32, #tpu.memory_space<vmem>>) target(%dma_start3A_648 : memref<16x1024xf32, #tpu.memory_space<hbm>>) target_semaphore(%arg14 : memref<!tpu.dma_semaphore, #tpu.memory_space<semaphore_mem>>)
    %dma_wait3A_653 = arith.constant 1 : i32
    %dma_wait3A_654 = arith.constant 0 : i32
    %dma_wait3A_655 = arith.constant 0 : i32
    %dma_wait3A_656 = tpu.memref_slice %arg6[%dma_wait3A_653, %dma_wait3A_654, %dma_wait3A_655] : memref<7x16x1024xf32, #tpu.memory_space<vmem>> -> memref<1x16x1024xf32, #tpu.memory_space<vmem>>
    %dma_wait3A_657 = tpu.memref_squeeze %dma_wait3A_656 : memref<1x16x1024xf32, #tpu.memory_space<vmem>> -> memref<16x1024xf32, #tpu.memory_space<vmem>>
    %dma_wait3A_658 = arith.constant 240 : i32
    %dma_wait3A_659 = tpu.memref_slice %arg5[%dma_wait3A_658] : memref<256xi32, #tpu.memory_space<vmem>> -> memref<16xi32, #tpu.memory_space<vmem>>
    %dma_wait3A_660 = arith.constant 0 : i32
    %dma_wait3A_661 = arith.constant 0 : i32
    %dma_wait3A_662 = tpu.memref_slice %arg3[%dma_wait3A_660, %dma_wait3A_661] : memref<8192x1024xf32, #tpu.memory_space<hbm>> -> memref<8192x1024xf32, #tpu.memory_space<hbm>>
    tpu.wait_indirect_dma semaphore(%arg8 : memref<!tpu.dma_semaphore, #tpu.memory_space<semaphore_mem>>) src(%dma_wait3A_662 : memref<8192x1024xf32, #tpu.memory_space<hbm>>) dst(%dma_wait3A_657 : memref<16x1024xf32, #tpu.memory_space<vmem>>)
    %add3A_663 = arith.constant 240 : i32
    %add3A_664 = arith.addi %mul3A_2, %add3A_663 : i32
    %dma_start3A_665 = arith.constant 1 : i32
    %dma_start3A_666 = arith.constant 0 : i32
    %dma_start3A_667 = arith.constant 0 : i32
    %dma_start3A_668 = tpu.memref_slice %arg6[%dma_start3A_665, %dma_start3A_666, %dma_start3A_667] : memref<7x16x1024xf32, #tpu.memory_space<vmem>> -> memref<1x16x1024xf32, #tpu.memory_space<vmem>>
    %dma_start3A_669 = tpu.memref_squeeze %dma_start3A_668 : memref<1x16x1024xf32, #tpu.memory_space<vmem>> -> memref<16x1024xf32, #tpu.memory_space<vmem>>
    %dma_start3A_670 = arith.constant 0 : i32
    %dma_start3A_671 = tpu.memref_slice %arg4[%add3A_664, %dma_start3A_670] : memref<8192x1024xf32, #tpu.memory_space<hbm>> -> memref<16x1024xf32, #tpu.memory_space<hbm>>
    %dma_start3A_672 = arith.constant 0 : i32
    %dma_start3A_673 = tpu.memref_slice %arg4[%add3A_664, %dma_start3A_672] : memref<8192x1024xf32, #tpu.memory_space<hbm>> -> memref<16x1024xf32, #tpu.memory_space<hbm>>
    %dma_start3A_674 = arith.constant 0 : i32
    %dma_start3A_675 = arith.constant 0 : i32
    %dma_start3A_676 = tpu.memref_slice %arg6[%dma_start3A_665, %dma_start3A_674, %dma_start3A_675] : memref<7x16x1024xf32, #tpu.memory_space<vmem>> -> memref<1x16x1024xf32, #tpu.memory_space<vmem>>
    %dma_start3A_677 = tpu.memref_squeeze %dma_start3A_676 : memref<1x16x1024xf32, #tpu.memory_space<vmem>> -> memref<16x1024xf32, #tpu.memory_space<vmem>>
    tpu.enqueue_dma source(%dma_start3A_677 : memref<16x1024xf32, #tpu.memory_space<vmem>>) target(%dma_start3A_673 : memref<16x1024xf32, #tpu.memory_space<hbm>>) target_semaphore(%arg15 : memref<!tpu.dma_semaphore, #tpu.memory_space<semaphore_mem>>)
    %dma_wait3A_678 = arith.constant 2 : i32
    %dma_wait3A_679 = arith.constant 0 : i32
    %dma_wait3A_680 = arith.constant 0 : i32
    %dma_wait3A_681 = tpu.memref_slice %arg6[%dma_wait3A_678, %dma_wait3A_679, %dma_wait3A_680] : memref<7x16x1024xf32, #tpu.memory_space<vmem>> -> memref<1x16x1024xf32, #tpu.memory_space<vmem>>
    %dma_wait3A_682 = tpu.memref_squeeze %dma_wait3A_681 : memref<1x16x1024xf32, #tpu.memory_space<vmem>> -> memref<16x1024xf32, #tpu.memory_space<vmem>>
    %dma_wait3A_683 = arith.constant 0 : i32
    %dma_wait3A_684 = tpu.memref_slice %arg4[%add3A_514, %dma_wait3A_683] : memref<8192x1024xf32, #tpu.memory_space<hbm>> -> memref<16x1024xf32, #tpu.memory_space<hbm>>
    %dma_wait3A_685 = arith.constant 0 : i32
    %dma_wait3A_686 = tpu.memref_slice %arg4[%add3A_514, %dma_wait3A_685] : memref<8192x1024xf32, #tpu.memory_space<hbm>> -> memref<16x1024xf32, #tpu.memory_space<hbm>>
    %dma_wait3A_687 = arith.constant 0 : i32
    %dma_wait3A_688 = arith.constant 0 : i32
    %dma_wait3A_689 = tpu.memref_slice %arg6[%dma_wait3A_678, %dma_wait3A_687, %dma_wait3A_688] : memref<7x16x1024xf32, #tpu.memory_space<vmem>> -> memref<1x16x1024xf32, #tpu.memory_space<vmem>>
    %dma_wait3A_690 = tpu.memref_squeeze %dma_wait3A_689 : memref<1x16x1024xf32, #tpu.memory_space<vmem>> -> memref<16x1024xf32, #tpu.memory_space<vmem>>
    tpu.wait_dma2 semaphore(%arg16 : memref<!tpu.dma_semaphore, #tpu.memory_space<semaphore_mem>>) src(%dma_wait3A_690 : memref<16x1024xf32, #tpu.memory_space<vmem>>) dst(%dma_wait3A_686 : memref<16x1024xf32, #tpu.memory_space<hbm>>)
    %dma_wait3A_691 = arith.constant 3 : i32
    %dma_wait3A_692 = arith.constant 0 : i32
    %dma_wait3A_693 = arith.constant 0 : i32
    %dma_wait3A_694 = tpu.memref_slice %arg6[%dma_wait3A_691, %dma_wait3A_692, %dma_wait3A_693] : memref<7x16x1024xf32, #tpu.memory_space<vmem>> -> memref<1x16x1024xf32, #tpu.memory_space<vmem>>
    %dma_wait3A_695 = tpu.memref_squeeze %dma_wait3A_694 : memref<1x16x1024xf32, #tpu.memory_space<vmem>> -> memref<16x1024xf32, #tpu.memory_space<vmem>>
    %dma_wait3A_696 = arith.constant 0 : i32
    %dma_wait3A_697 = tpu.memref_slice %arg4[%add3A_539, %dma_wait3A_696] : memref<8192x1024xf32, #tpu.memory_space<hbm>> -> memref<16x1024xf32, #tpu.memory_space<hbm>>
    %dma_wait3A_698 = arith.constant 0 : i32
    %dma_wait3A_699 = tpu.memref_slice %arg4[%add3A_539, %dma_wait3A_698] : memref<8192x1024xf32, #tpu.memory_space<hbm>> -> memref<16x1024xf32, #tpu.memory_space<hbm>>
    %dma_wait3A_700 = arith.constant 0 : i32
    %dma_wait3A_701 = arith.constant 0 : i32
    %dma_wait3A_702 = tpu.memref_slice %arg6[%dma_wait3A_691, %dma_wait3A_700, %dma_wait3A_701] : memref<7x16x1024xf32, #tpu.memory_space<vmem>> -> memref<1x16x1024xf32, #tpu.memory_space<vmem>>
    %dma_wait3A_703 = tpu.memref_squeeze %dma_wait3A_702 : memref<1x16x1024xf32, #tpu.memory_space<vmem>> -> memref<16x1024xf32, #tpu.memory_space<vmem>>
    tpu.wait_dma2 semaphore(%arg17 : memref<!tpu.dma_semaphore, #tpu.memory_space<semaphore_mem>>) src(%dma_wait3A_703 : memref<16x1024xf32, #tpu.memory_space<vmem>>) dst(%dma_wait3A_699 : memref<16x1024xf32, #tpu.memory_space<hbm>>)
    %dma_wait3A_704 = arith.constant 4 : i32
    %dma_wait3A_705 = arith.constant 0 : i32
    %dma_wait3A_706 = arith.constant 0 : i32
    %dma_wait3A_707 = tpu.memref_slice %arg6[%dma_wait3A_704, %dma_wait3A_705, %dma_wait3A_706] : memref<7x16x1024xf32, #tpu.memory_space<vmem>> -> memref<1x16x1024xf32, #tpu.memory_space<vmem>>
    %dma_wait3A_708 = tpu.memref_squeeze %dma_wait3A_707 : memref<1x16x1024xf32, #tpu.memory_space<vmem>> -> memref<16x1024xf32, #tpu.memory_space<vmem>>
    %dma_wait3A_709 = arith.constant 0 : i32
    %dma_wait3A_710 = tpu.memref_slice %arg4[%add3A_564, %dma_wait3A_709] : memref<8192x1024xf32, #tpu.memory_space<hbm>> -> memref<16x1024xf32, #tpu.memory_space<hbm>>
    %dma_wait3A_711 = arith.constant 0 : i32
    %dma_wait3A_712 = tpu.memref_slice %arg4[%add3A_564, %dma_wait3A_711] : memref<8192x1024xf32, #tpu.memory_space<hbm>> -> memref<16x1024xf32, #tpu.memory_space<hbm>>
    %dma_wait3A_713 = arith.constant 0 : i32
    %dma_wait3A_714 = arith.constant 0 : i32
    %dma_wait3A_715 = tpu.memref_slice %arg6[%dma_wait3A_704, %dma_wait3A_713, %dma_wait3A_714] : memref<7x16x1024xf32, #tpu.memory_space<vmem>> -> memref<1x16x1024xf32, #tpu.memory_space<vmem>>
    %dma_wait3A_716 = tpu.memref_squeeze %dma_wait3A_715 : memref<1x16x1024xf32, #tpu.memory_space<vmem>> -> memref<16x1024xf32, #tpu.memory_space<vmem>>
    tpu.wait_dma2 semaphore(%arg18 : memref<!tpu.dma_semaphore, #tpu.memory_space<semaphore_mem>>) src(%dma_wait3A_716 : memref<16x1024xf32, #tpu.memory_space<vmem>>) dst(%dma_wait3A_712 : memref<16x1024xf32, #tpu.memory_space<hbm>>)
    %dma_wait3A_717 = arith.constant 5 : i32
    %dma_wait3A_718 = arith.constant 0 : i32
    %dma_wait3A_719 = arith.constant 0 : i32
    %dma_wait3A_720 = tpu.memref_slice %arg6[%dma_wait3A_717, %dma_wait3A_718, %dma_wait3A_719] : memref<7x16x1024xf32, #tpu.memory_space<vmem>> -> memref<1x16x1024xf32, #tpu.memory_space<vmem>>
    %dma_wait3A_721 = tpu.memref_squeeze %dma_wait3A_720 : memref<1x16x1024xf32, #tpu.memory_space<vmem>> -> memref<16x1024xf32, #tpu.memory_space<vmem>>
    %dma_wait3A_722 = arith.constant 0 : i32
    %dma_wait3A_723 = tpu.memref_slice %arg4[%add3A_589, %dma_wait3A_722] : memref<8192x1024xf32, #tpu.memory_space<hbm>> -> memref<16x1024xf32, #tpu.memory_space<hbm>>
    %dma_wait3A_724 = arith.constant 0 : i32
    %dma_wait3A_725 = tpu.memref_slice %arg4[%add3A_589, %dma_wait3A_724] : memref<8192x1024xf32, #tpu.memory_space<hbm>> -> memref<16x1024xf32, #tpu.memory_space<hbm>>
    %dma_wait3A_726 = arith.constant 0 : i32
    %dma_wait3A_727 = arith.constant 0 : i32
    %dma_wait3A_728 = tpu.memref_slice %arg6[%dma_wait3A_717, %dma_wait3A_726, %dma_wait3A_727] : memref<7x16x1024xf32, #tpu.memory_space<vmem>> -> memref<1x16x1024xf32, #tpu.memory_space<vmem>>
    %dma_wait3A_729 = tpu.memref_squeeze %dma_wait3A_728 : memref<1x16x1024xf32, #tpu.memory_space<vmem>> -> memref<16x1024xf32, #tpu.memory_space<vmem>>
    tpu.wait_dma2 semaphore(%arg19 : memref<!tpu.dma_semaphore, #tpu.memory_space<semaphore_mem>>) src(%dma_wait3A_729 : memref<16x1024xf32, #tpu.memory_space<vmem>>) dst(%dma_wait3A_725 : memref<16x1024xf32, #tpu.memory_space<hbm>>)
    %dma_wait3A_730 = arith.constant 6 : i32
    %dma_wait3A_731 = arith.constant 0 : i32
    %dma_wait3A_732 = arith.constant 0 : i32
    %dma_wait3A_733 = tpu.memref_slice %arg6[%dma_wait3A_730, %dma_wait3A_731, %dma_wait3A_732] : memref<7x16x1024xf32, #tpu.memory_space<vmem>> -> memref<1x16x1024xf32, #tpu.memory_space<vmem>>
    %dma_wait3A_734 = tpu.memref_squeeze %dma_wait3A_733 : memref<1x16x1024xf32, #tpu.memory_space<vmem>> -> memref<16x1024xf32, #tpu.memory_space<vmem>>
    %dma_wait3A_735 = arith.constant 0 : i32
    %dma_wait3A_736 = tpu.memref_slice %arg4[%add3A_614, %dma_wait3A_735] : memref<8192x1024xf32, #tpu.memory_space<hbm>> -> memref<16x1024xf32, #tpu.memory_space<hbm>>
    %dma_wait3A_737 = arith.constant 0 : i32
    %dma_wait3A_738 = tpu.memref_slice %arg4[%add3A_614, %dma_wait3A_737] : memref<8192x1024xf32, #tpu.memory_space<hbm>> -> memref<16x1024xf32, #tpu.memory_space<hbm>>
    %dma_wait3A_739 = arith.constant 0 : i32
    %dma_wait3A_740 = arith.constant 0 : i32
    %dma_wait3A_741 = tpu.memref_slice %arg6[%dma_wait3A_730, %dma_wait3A_739, %dma_wait3A_740] : memref<7x16x1024xf32, #tpu.memory_space<vmem>> -> memref<1x16x1024xf32, #tpu.memory_space<vmem>>
    %dma_wait3A_742 = tpu.memref_squeeze %dma_wait3A_741 : memref<1x16x1024xf32, #tpu.memory_space<vmem>> -> memref<16x1024xf32, #tpu.memory_space<vmem>>
    tpu.wait_dma2 semaphore(%arg20 : memref<!tpu.dma_semaphore, #tpu.memory_space<semaphore_mem>>) src(%dma_wait3A_742 : memref<16x1024xf32, #tpu.memory_space<vmem>>) dst(%dma_wait3A_738 : memref<16x1024xf32, #tpu.memory_space<hbm>>)
    %dma_wait3A_743 = arith.constant 0 : i32
    %dma_wait3A_744 = arith.constant 0 : i32
    %dma_wait3A_745 = arith.constant 0 : i32
    %dma_wait3A_746 = tpu.memref_slice %arg6[%dma_wait3A_743, %dma_wait3A_744, %dma_wait3A_745] : memref<7x16x1024xf32, #tpu.memory_space<vmem>> -> memref<1x16x1024xf32, #tpu.memory_space<vmem>>
    %dma_wait3A_747 = tpu.memref_squeeze %dma_wait3A_746 : memref<1x16x1024xf32, #tpu.memory_space<vmem>> -> memref<16x1024xf32, #tpu.memory_space<vmem>>
    %dma_wait3A_748 = arith.constant 0 : i32
    %dma_wait3A_749 = tpu.memref_slice %arg4[%add3A_639, %dma_wait3A_748] : memref<8192x1024xf32, #tpu.memory_space<hbm>> -> memref<16x1024xf32, #tpu.memory_space<hbm>>
    %dma_wait3A_750 = arith.constant 0 : i32
    %dma_wait3A_751 = tpu.memref_slice %arg4[%add3A_639, %dma_wait3A_750] : memref<8192x1024xf32, #tpu.memory_space<hbm>> -> memref<16x1024xf32, #tpu.memory_space<hbm>>
    %dma_wait3A_752 = arith.constant 0 : i32
    %dma_wait3A_753 = arith.constant 0 : i32
    %dma_wait3A_754 = tpu.memref_slice %arg6[%dma_wait3A_743, %dma_wait3A_752, %dma_wait3A_753] : memref<7x16x1024xf32, #tpu.memory_space<vmem>> -> memref<1x16x1024xf32, #tpu.memory_space<vmem>>
    %dma_wait3A_755 = tpu.memref_squeeze %dma_wait3A_754 : memref<1x16x1024xf32, #tpu.memory_space<vmem>> -> memref<16x1024xf32, #tpu.memory_space<vmem>>
    tpu.wait_dma2 semaphore(%arg14 : memref<!tpu.dma_semaphore, #tpu.memory_space<semaphore_mem>>) src(%dma_wait3A_755 : memref<16x1024xf32, #tpu.memory_space<vmem>>) dst(%dma_wait3A_751 : memref<16x1024xf32, #tpu.memory_space<hbm>>)
    %dma_wait3A_756 = arith.constant 1 : i32
    %dma_wait3A_757 = arith.constant 0 : i32
    %dma_wait3A_758 = arith.constant 0 : i32
    %dma_wait3A_759 = tpu.memref_slice %arg6[%dma_wait3A_756, %dma_wait3A_757, %dma_wait3A_758] : memref<7x16x1024xf32, #tpu.memory_space<vmem>> -> memref<1x16x1024xf32, #tpu.memory_space<vmem>>
    %dma_wait3A_760 = tpu.memref_squeeze %dma_wait3A_759 : memref<1x16x1024xf32, #tpu.memory_space<vmem>> -> memref<16x1024xf32, #tpu.memory_space<vmem>>
    %dma_wait3A_761 = arith.constant 0 : i32
    %dma_wait3A_762 = tpu.memref_slice %arg4[%add3A_664, %dma_wait3A_761] : memref<8192x1024xf32, #tpu.memory_space<hbm>> -> memref<16x1024xf32, #tpu.memory_space<hbm>>
    %dma_wait3A_763 = arith.constant 0 : i32
    %dma_wait3A_764 = tpu.memref_slice %arg4[%add3A_664, %dma_wait3A_763] : memref<8192x1024xf32, #tpu.memory_space<hbm>> -> memref<16x1024xf32, #tpu.memory_space<hbm>>
    %dma_wait3A_765 = arith.constant 0 : i32
    %dma_wait3A_766 = arith.constant 0 : i32
    %dma_wait3A_767 = tpu.memref_slice %arg6[%dma_wait3A_756, %dma_wait3A_765, %dma_wait3A_766] : memref<7x16x1024xf32, #tpu.memory_space<vmem>> -> memref<1x16x1024xf32, #tpu.memory_space<vmem>>
    %dma_wait3A_768 = tpu.memref_squeeze %dma_wait3A_767 : memref<1x16x1024xf32, #tpu.memory_space<vmem>> -> memref<16x1024xf32, #tpu.memory_space<vmem>>
    tpu.wait_dma2 semaphore(%arg15 : memref<!tpu.dma_semaphore, #tpu.memory_space<semaphore_mem>>) src(%dma_wait3A_768 : memref<16x1024xf32, #tpu.memory_space<vmem>>) dst(%dma_wait3A_764 : memref<16x1024xf32, #tpu.memory_space<hbm>>)
    return
  }
}

</mosaic_0001>

<sc_bundles>
// kernel: kernel.3.cloned.1.call-start
scs
__scs_entry_jumppad:
0x0: {  	(pc) =	sbr.rel $0x88, $3  }
0x1: {  	(tag) =	ssettag $0x0;
	lr =	simm.s32 $0x1  }
0x2: {  	[smem:$0x3F9F] =	sst lr;
	_ =	strace $0xD0000000  }
0x3: {  	_ = 	snop  }
0x4: {  	_ = 	snop  }
0x5: {  	_ = 	snop  }
0x6: {  	_ = 	snop  }
0x7: {  	_ = 	snop  }
__scs_overlays_trampoline_lowered:
0x8: {  	[smem:$0x3FAE] =	sst s0  }
0x9: {  	[smem:$0x3FAF] =	sst s1  }
0xa: {  	[smem:$0x3FB0] =	sst s2  }
0xb: {  	[smem:$0x3FB1] =	sst s3  }
0xc: {  	[smem:$0x3FB2] =	sst s4  }
0xd: {  	[smem:$0x3FB3] =	sst s5  }
0xe: {  	[smem:$0x3FB4] =	sst s6  }
0xf: {  	[smem:$0x3FB5] =	sst s7  }
0x10: {  	[smem:$0x3FB6] =	sst s8  }
0x11: {  	[smem:$0x3FB7] =	sst s9;
	s0 =	simm.s32 @!p0 $0x0  }
0x12: {  	s1 =	sld [smem:$0x3F9D];
	s0 =	simm.s32 @p0 $0x1  }
0x13: {  	[smem:$0x3FB8] =	sst s0;
	s0 =	simm.s32 @!p1 $0x0  }
0x14: {  	s2 =	sld [smem:$0x3F9C];
	s0 =	simm.s32 @p1 $0x1  }
0x15: {  	[smem:$0x3FB9] =	sst s0;
	s0 =	simm.s32 @!p2 $0x0  }
0x16: {  	s3 =	sld [smem:$0x3FDB];
	s0 =	simm.s32 @p2 $0x1  }
0x17: {  	s4 =	simm.s32 $0x1BF5;
	[smem:$0x3FBB] =	sst s0  }
0x18: {  	s0 =	sld [smem:$0x3F9E];
	_ =	swait.ge [sflag:s4], $0x0  }
0x19: {  	s7 =	sld [smem:$0x3F9F]  }
0x1a: {  	s8 =	sadd.s32 $0xFFFFE003, lr  }
0x1b: {  	s9 =	sadd.s32 $0xFFFFFEF7, lr;
	s5 =	simm.s32 $0xFFFFFFFF;
	p2 =	slt.u32 s8, $0xFFFFF086  }
0x1c: {  	p1 =	slt.u32 s9, $0xF7A;
	s5 =	simm.s32 @!p2 $0x0  }
0x1d: {  	s5 =	simm.s32 @p1 $0x1;
	p0 =	seq.s32 s7, s2  }
0x1e: {  	s7 =	smul.u32 @!p0 $0xF7A, s2;
	p2 =	seq.s32 @!p0 s5, $0x0  }
0x1f: {  	s9 =	smul.u32 $0xF7A, s1;
	s8 =	simm.s32 @!p0 $0x1BF5;
	p2 =	por !p2, p0  }
0x20: {  	[sflag:s8] =	ssyncset.s32 @!p0 $0xFFFFF086;
	s6 =	sadd.s32 @!p0 s3, s7;
	s7 =	simm.s32 @!p0 $0x108  }
0x21: {  	s3 =	sadd.s32 s3, s9;
	s6 =	sadd.s32 @!p0 $0x88, s6;
	s7 =	simm.s32 @p2 $0x1082  }
0x22: {  	[simem:s7], [sflag:s8] =	dma.local @!p0 [hbm:s6], $0xF7A  }
0x23: {  	s9 =	sor.u32 $0xD0000000, s2;
	s6 =	simm.s32 $0x108;
	_ =	swait.ge @!p0 [sflag:s8], $0x0  }
0x24: {  	s3 =	sadd.s32 $0x88, s3;
	s6 =	simm.s32 @!p1 $0x1082;
	[sflag:s4] =	ssyncset.s32 $0xFFFFF086  }
0x25: {  	[simem:s6], [sflag:s4] =	dma.local [hbm:s3], $0xF7A  }
0x26: {  	[smem:$0x3F9F] =	sst s1;
	(tag) =	ssettag s2;
	_ =	strace s9  }
0x27: {  	s1 =	sld [smem:$0x3FAF]  }
0x28: {  	s2 =	sld [smem:$0x3FB0]  }
0x29: {  	s4 =	sld [smem:$0x3FB2]  }
0x2a: {  	p0 =	seq.s32 s5, $0x0;
	s5 =	sld [smem:$0x3FB3]  }
0x2b: {  	s6 =	sld [smem:$0x3FB4]  }
0x2c: {  	s7 =	sld [smem:$0x3FB5]  }
0x2d: {  	s3 =	simm.s32 $0x108;
	s8 =	sld [smem:$0x3FB6]  }
0x2e: {  	s3 =	simm.s32 @!p0 $0x1082;
	s9 =	sld [smem:$0x3FB7]  }
0x2f: {  	lr =	sadd.s32 s0, s3;
	s0 =	sld [smem:$0x3FAE]  }
0x30: {  	s3 =	sld [smem:$0x3FB1]  }
0x31: {  	[smem:$0x3FBA] =	sst s10  }
0x32: {  	s10 =	sld [smem:$0x3FB8];
	_ =	sdelay $0x3  }
0x33: {  	p0 =	seq.s32 s10, $0x1;
	s10 =	sld [smem:$0x3FBA];
	_ =	sdelay $0x3  }
0x34: {  	[smem:$0x3FBA] =	sst s10  }
0x35: {  	s10 =	sld [smem:$0x3FB9];
	_ =	sdelay $0x3  }
0x36: {  	p1 =	seq.s32 s10, $0x1;
	s10 =	sld [smem:$0x3FBA];
	_ =	sdelay $0x3  }
0x37: {  	[smem:$0x3FBA] =	sst s10  }
0x38: {  	s10 =	sld [smem:$0x3FBB]  }
0x39: {  	_ = 	snop;
	(pc) =	sbr.ind lr, $3  }
0x3a: {  	_ = 	snop  }
0x3b: {  	_ = 	snop  }
0x3c: {  	p2 =	seq.s32 s10, $0x1;
	s10 =	sld [smem:$0x3FBA]  }
0x3d: {  	_ =	shalt  }
0x3e: {  	_ =	shalt  }
0x3f: {  	_ =	shalt  }
0x40: {  	_ =	shalt  }
0x41: {  	_ =	shalt  }
0x42: {  	_ =	shalt  }
0x43: {  	_ =	shalt  }
0x44: {  	_ =	shalt  }
0x45: {  	_ =	shalt  }
0x46: {  	_ =	shalt  }
0x47: {  	_ =	shalt  }
0x48: {  	_ =	shalt  }
0x49: {  	_ =	shalt  }
0x4a: {  	_ =	shalt  }
0x4b: {  	_ =	shalt  }
0x4c: {  	_ =	shalt  }
0x4d: {  	_ =	shalt  }
0x4e: {  	_ =	shalt  }
0x4f: {  	_ =	shalt  }
0x50: {  	_ =	shalt  }
0x51: {  	_ =	shalt  }
0x52: {  	_ =	shalt  }
0x53: {  	_ =	shalt  }
0x54: {  	_ =	shalt  }
0x55: {  	_ =	shalt  }
0x56: {  	_ =	shalt  }
0x57: {  	_ =	shalt  }
0x58: {  	_ =	shalt  }
0x59: {  	_ =	shalt  }
0x5a: {  	_ =	shalt  }
0x5b: {  	_ =	shalt  }
0x5c: {  	_ =	shalt  }
0x5d: {  	_ =	shalt  }
0x5e: {  	_ =	shalt  }
0x5f: {  	_ =	shalt  }
0x60: {  	_ =	shalt  }
0x61: {  	_ =	shalt  }
0x62: {  	_ =	shalt  }
0x63: {  	_ =	shalt  }
0x64: {  	_ =	shalt  }
0x65: {  	_ =	shalt  }
0x66: {  	_ =	shalt  }
0x67: {  	_ =	shalt  }
0x68: {  	_ =	shalt  }
0x69: {  	_ =	shalt  }
0x6a: {  	_ =	shalt  }
0x6b: {  	_ =	shalt  }
0x6c: {  	_ =	shalt  }
0x6d: {  	_ =	shalt  }
0x6e: {  	_ =	shalt  }
0x6f: {  	_ =	shalt  }
0x70: {  	_ =	shalt  }
0x71: {  	_ =	shalt  }
0x72: {  	_ =	shalt  }
0x73: {  	_ =	shalt  }
0x74: {  	_ =	shalt  }
0x75: {  	_ =	shalt  }
0x76: {  	_ =	shalt  }
0x77: {  	_ =	shalt  }
0x78: {  	_ =	shalt  }
0x79: {  	_ =	shalt  }
0x7a: {  	_ =	shalt  }
0x7b: {  	_ =	shalt  }
0x7c: {  	_ =	shalt  }
0x7d: {  	_ =	shalt  }
0x7e: {  	_ =	shalt  }
0x7f: {  	_ =	shalt  }
0x80: {  	_ =	shalt  }
0x81: {  	_ =	shalt  }
0x82: {  	_ =	shalt  }
0x83: {  	_ =	shalt  }
0x84: {  	_ =	shalt  }
0x85: {  	_ =	shalt  }
0x86: {  	_ =	shalt  }
0x87: {  	_ =	shalt  }
.Lfunc_end0:
.L_simem_size_0:
called_computation_lowered:
.L_overlay_start_0:
0x88: {  	s2 =	sld [smem:$0x3FD9]  }
0x89: {  	s3 =	sld [smem:$0x3FFE];
	_ =	sdelay $0x1  }
0x8a: {  	s1 =	srdreg.scid  }
0x8b: {  	s0 =	sand.u32 $0x1, s1  }
0x8c: {  	s17 =	sshll.u32 s0, $0xA;
	s2 =	sadd.s32 s3, s2  }
0x8d: {  	s2 =	sadd.s32 s2, s17  }
0x8e: {  	[smem:$0x3FC6] =	sst s2  }
0x8f: {  	_ = 	snop  }
0x90: {  	s2 =	sld [smem:$0x3FC8]  }
0x91: {  	s18 =	sld [smem:$0x3FD0];
	(tm) =	ssettm $0x1  }
0x92: {  	s4 =	sld [smem:$0x3FFB];
	_ =	sdelay $0x3  }
0x93: {  	_ =	strace s4  }
0x94: {  	s4 =	sld [smem:$0x3FFC];
	_ =	sdelay $0x3  }
0x95: {  	_ =	strace s4  }
0x96: {  	s4 =	sld [smem:$0x3FFD];
	_ =	sdelay $0x3  }
0x97: {  	_ =	strace s4  }
0x98: {  	_ =	strace $0x8FFFFFFF  }
0x99: {  	s19 =	sld [smem:$0x3FDB];
	_ =	sdelay $0x1  }
0x9a: {  	s5 =	simm.s32 $_scs_section_size  }
0x9b: {  	s6 =	simm.s32 $_size__tile_overlayer_lowered;
	s7 =	simm.s32 $_tile_overlayer_lowered  }
0x9c: {  	s22 =	simm.s32 $0x1BFF;
	s21 =	sshll.u32 s7, $0x1;
	s4 =	sadd.s32 s5, s19  }
0x9d: {  	s8 =	simm.s32 $0x0;
	s20 =	sshll.u32 s6, $0x1;
	s6 =	sadd.s32 s21, s4  }
0x9e: {  	[timem:s8], [sflag:s22] =	dma.local [hbm:s6], s20  }
0x9f: {  	_ =	swait.ge [sflag:s22], s20  }
0xa0: {  	s5 =	ssub.s32 $0x0, s20;
	[sflag:s22] =	ssyncset.done $0x0  }
0xa1: {  	[sflag:s22] =	ssyncadd.s32 s5;
	_ =	sdelay $0x1  }
0xa2: {  	s23 =	simm.s32 $0x1B8B  }
0xa3: {  	_ =	swait.ge [sflag:s23], $0x1  }
0xa4: {  	[sflag:s23] =	ssyncset.done $0x0  }
0xa5: {  	s25 =	simm.s32 $0x1B8E;
	s24 =	sld [smem:$0x3FFE];
	[sflag:s23] =	ssyncadd.s32 $0xFFFFFFFF  }
0xa6: {  	s26 =	simm.s32 $execute0_lowered;
	[smem:$0x3FD2] =	sst s25  }
0xa7: {  	s6 =	sshll.u32 s26, $0x1;
	_ =	strace $0x80000046;
	[dreg:$0x1] =	wrdreg $0xFFFFFFFF  }
0xa8: {  	s28 =	simm.s32 $_size_execute0_lowered;
	s4 =	sadd.s32 s4, s6;
	[dreg:$0x0] =	wrdreg $0x0  }
0xa9: {  	s6 =	sshll.u32 s28, $0x1;
	[dreg:$0x2] =	wrdreg s4  }
0xaa: {  	[dreg:$0x3] =	wrdreg s6  }
0xab: {  	[dreg:$0x4] =	wrdreg $0xC0  }
0xac: {  	_ =	task [dreg:s8], $0x5FFFF  }
0xad: {  	[dreg:$0x1] =	wrdreg $0xFFFFFFFF  }
0xae: {  	[dreg:$0x0] =	wrdreg $0x60  }
0xaf: {  	[dreg:$0x2] =	wrdreg s24  }
0xb0: {  	[dreg:$0x3] =	wrdreg s2  }
0xb1: {  	[dreg:$0x4] =	wrdreg s18  }
0xb2: {  	[dreg:$0x5] =	wrdreg $0x9  }
0xb3: {  	_ =	task.clear_ibuf [dreg:s8], $0x6FFFF;
	_ =	strace $0x90000046  }
0xb4: {  	s29 =	simm.s32 $0x9;
	_ =	strace $0x80000048  }
0xb5: {  	_ =	swait.ge [sflag:s29], $0x1  }
0xb6: {  	[sflag:s29] =	ssyncadd.s32 $0xFFFFFFFF  }
0xb7: {  	_ =	strace $0x90000048  }
0xb8: {  	_ =	sfence  }
0xb9: {  	s30 =	sld [smem:$0x0];
	_ =	sdelay $0x2  }
0xba: {  	s31 =	sshll.u32 s1, $0xD;
	s1 =	sshrl.u32 s1, $0x2  }
0xbb: {  	s3 =	sand.u32 $0x4000, s31;
	s1 =	sadd.s32 s1, s30  }
0xbc: {  	s0 =	sor.u32 s3, s0;
	s1 =	sshll.u32 s1, $0x11  }
0xbd: {  	s0 =	sor.u32 s1, s0  }
0xbe: {  	s0 =	sadd.s32 $0x8F2B, s0  }
0xbf: {  	[sflag:s0] =	ssyncadd.remote.s32 $0x1  }
0xc0: {  	_ =	sfence.sel $0xFFFF  }
0xc1: {  	[dreg:$0x0] =	wrdreg $0xFFFFFFFF;
	(pc) =	sbr.abs _section_cstart, $3  }
0xc2: {  	[dreg:$0x1] =	wrdreg $0xFFFFFFFF  }
0xc3: {  	_ =	task.clear_ibuf [dreg:s8], $0x2FFFF;
	_ =	strace $0x9FFFFFFF  }
0xc4: {  	(tm) =	ssettm $0x7FFFFFFF  }
0xc5: {  	_ =	shalt  }
tec
execute0_lowered:
.L_overlay_start_1:
0x0: {  	(tag) =	ssettag $0x1  }
0x1: {  	s0 =	srdreg.scid  }
0x2: {  	s1 =	rddreg [dreg:$0x0];
	s3 =	stileid.u32;
	s0 =	sand.u32 $0x1, s0  }
0x3: {  	s2 =	rddreg [dreg:$0x1];
	s3 =	sshll.u32 s3, $0x9;
	s4 =	sshll.u32 s0, $0x8  }
0x4: {  	s5 =	rddreg [dreg:$0x2];
	s4 =	sor.u32 s4, s3  }
0x5: {  	s3 =	simm.s32 $0x0;
	s6 =	sshrl.u32 s4, $0x3;
	s4 =	sshll.u32 s4, $0x7  }
0x6: {  	[smem:$0x7FF] =	sst s3;
	s1 =	sadd.s32 s6, s1;
	s10 =	sadd.s32 s5, s4  }
0x7: {  	_ =	strace $0x80000047;
	s1 =	sadd.s32 $0x400, s1;
	[dreg:$0x14] =	wrdreg s10  }
0x8: {  	s11 =	sadd.s32 $0x800, s10;
	[dreg:$0x4] =	wrdreg s1  }
0x9: {  	s12 =	sadd.s32 $0x1000, s10;
	[dreg:$0x5] =	wrdreg s11  }
0xa: {  	s31 =	simm.s32 $0x1;
	s13 =	sadd.s32 $0x1800, s10;
	[dreg:$0x6] =	wrdreg s12  }
0xb: {  	s30 =	simm.s32 $0x8;
	s14 =	sadd.s32 $0x2000, s10;
	[dreg:$0x7] =	wrdreg s13  }
0xc: {  	s9 =	simm.s32 $0x9;
	s15 =	sadd.s32 $0x2800, s10;
	[dreg:$0x8] =	wrdreg s14  }
0xd: {  	s28 =	simm.s32 $0x8900;
	s16 =	sadd.s32 $0x3000, s10;
	[dreg:$0x9] =	wrdreg s15  }
0xe: {  	s29 =	simm.s32 $0xB900;
	s17 =	sadd.s32 $0x3800, s10;
	[dreg:$0xa] =	wrdreg s16  }
0xf: {  	s7 =	sadd.s32 $0x300, s2;
	s18 =	sadd.s32 $0x4000, s10;
	[dreg:$0xb] =	wrdreg s17  }
0x10: {  	s0 =	ssub.s32 $0x2, s0;
	s19 =	sadd.s32 $0x4800, s10;
	[dreg:$0xc] =	wrdreg s18  }
0x11: {  	s23 =	sshrl.u32 s0, $0x1;
	s20 =	sadd.s32 $0x5000, s10;
	[dreg:$0xd] =	wrdreg s19  }
0x12: {  	s0 =	ssub.s32 s0, s23;
	s21 =	sadd.s32 $0x5800, s10;
	[dreg:$0xe] =	wrdreg s20  }
0x13: {  	s5 =	sadd.s32 $0x100, s2;
	s22 =	sadd.s32 $0x6000, s10;
	[dreg:$0xf] =	wrdreg s21  }
0x14: {  	s6 =	sadd.s32 $0x200, s2;
	s24 =	sadd.s32 $0x6800, s10;
	[dreg:$0x10] =	wrdreg s22  }
0x15: {  	s8 =	smax.u32 s0, $0x1;
	s25 =	sadd.s32 $0x7000, s10;
	[dreg:$0x11] =	wrdreg s24  }
0x16: {  	v2 =	vlaneseq.u32;
	s4 =	simm.s32 $0x2;
	s26 =	sadd.s32 $0x7800, s10;
	[dreg:$0x12] =	wrdreg s25  }
0x17: {  	vm0 =	vmmov $0xffff;
	v1 =	vshrl.u32 v2, $0x3;
	s10 =	simm.s32 $0x4100;
	[dreg:$0x13] =	wrdreg s26;
	s18 =	simm.s32 $0x100  }
0x18: {  	v0 =	vand.u32 $0x7, v2;
	v2 =	vor.u32 $0x8, v2;
	v1 =	vmul.u32 $0x8, v1;
	s25 =	simm.s32 $0xA900;
	s26 =	simm.s32 $0xB100;
	s12 =	simm.s32 $0x18100  }
.LBB2_1:
0x19: {  	s22 =	rddreg [dreg:$0x4];
	s16 =	simm.s32 $0xF  }
0x1a: {  	[tilespmem:s3], [sflag:$0xF] =	stream.linear.gather [hbm4b:s22+s3], $0x100, $0x38;
	[tilespmem:$0x1C100] =	vst v63  }
0x1b: {  	_ =	swait.ge [sflag:s16], $0x100  }
0x1c: {  	[sflag:s16] =	ssyncset.done $0x0  }
0x1d: {  	[sflag:s16] =	ssyncadd.s32 $0xFFFFFF00  }
0x1e: {  	v3 =	vld [tilespmem:$0x0];
	_ =	sdelay $0x4  }
0x1f: {  	v4 =	vshll.u32 v3, $0x3  }
0x20: {  	v3 =	vand.u32 $0x7, v3;
	v4 =	vand.u32 $0xFFFFFFC0, v4  }
0x21: {  	v3 =	vor.u32 v3, v4  }
0x22: {  	v4 =	vperm.xlane v3, v0;
	_ =	sdelay $0x1  }
0x23: {  	v4 =	vadd.s32 v1, v4;
	_ =	sdelay $0x4  }
0x24: {  	[tilespmem:s18], [sflag:$0x1] =	stream.indirect_vreg.gather [hbm4b:s2+s3], $0x80, v4, vm0, $0xb8;
	[tilespmem:$0x1C100] =	vst v63  }
0x25: {  	s0 =	simm.s32 $0x900;
	v3 =	vperm.xlane v3, v2  }
0x26: {  	[tilespmem:s0], [sflag:$0x1] =	stream.indirect_vreg.gather [hbm4b:s5+s3], $0x80, v4, vm0, $0xb8;
	[tilespmem:$0x1C100] =	vst v63  }
0x27: {  	s17 =	simm.s32 $0x1100;
	v3 =	vadd.s32 v1, v3  }
0x28: {  	[tilespmem:s17], [sflag:$0x1] =	stream.indirect_vreg.gather [hbm4b:s6+s3], $0x80, v4, vm0, $0xb8;
	[tilespmem:$0x1C100] =	vst v63  }
0x29: {  	s19 =	simm.s32 $0x1900  }
0x2a: {  	[tilespmem:s19], [sflag:$0x1] =	stream.indirect_vreg.gather [hbm4b:s7+s3], $0x80, v4, vm0, $0xb8;
	[tilespmem:$0x1C100] =	vst v63  }
0x2b: {  	s20 =	simm.s32 $0x2100  }
0x2c: {  	[tilespmem:s20], [sflag:$0x1] =	stream.indirect_vreg.gather [hbm4b:s2+s3], $0x80, v3, vm0, $0xb8;
	[tilespmem:$0x1C100] =	vst v63  }
0x2d: {  	s21 =	simm.s32 $0x2900  }
0x2e: {  	[tilespmem:s21], [sflag:$0x1] =	stream.indirect_vreg.gather [hbm4b:s5+s3], $0x80, v3, vm0, $0xb8;
	[tilespmem:$0x1C100] =	vst v63  }
0x2f: {  	s22 =	simm.s32 $0x3100  }
0x30: {  	[tilespmem:s22], [sflag:$0x1] =	stream.indirect_vreg.gather [hbm4b:s6+s3], $0x80, v3, vm0, $0xb8;
	[tilespmem:$0x1C100] =	vst v63  }
0x31: {  	s23 =	simm.s32 $0x3900  }
0x32: {  	[tilespmem:s23], [sflag:$0x1] =	stream.indirect_vreg.gather [hbm4b:s7+s3], $0x80, v3, vm0, $0xb8;
	[tilespmem:$0x1C100] =	vst v63  }
0x33: {  	v3 =	vld [tilespmem:$0x10];
	_ =	sdelay $0x4  }
0x34: {  	v49 =	vshll.u32 v3, $0x3  }
0x35: {  	v3 =	vand.u32 $0x7, v3;
	v4 =	vand.u32 $0xFFFFFFC0, v49  }
0x36: {  	v3 =	vor.u32 v3, v4  }
0x37: {  	v4 =	vperm.xlane v3, v0;
	_ =	sdelay $0x1  }
0x38: {  	v4 =	vadd.s32 v1, v4;
	_ =	sdelay $0x4  }
0x39: {  	[tilespmem:s10], [sflag:$0x2] =	stream.indirect_vreg.gather [hbm4b:s2+s3], $0x80, v4, vm0, $0xb8;
	[tilespmem:$0x1C100] =	vst v63  }
0x3a: {  	s24 =	simm.s32 $0x4900;
	v3 =	vperm.xlane v3, v2  }
0x3b: {  	[tilespmem:s24], [sflag:$0x2] =	stream.indirect_vreg.gather [hbm4b:s5+s3], $0x80, v4, vm0, $0xb8;
	[tilespmem:$0x1C100] =	vst v63  }
0x3c: {  	s11 =	simm.s32 $0x5100;
	v3 =	vadd.s32 v1, v3  }
0x3d: {  	[tilespmem:s11], [sflag:$0x2] =	stream.indirect_vreg.gather [hbm4b:s6+s3], $0x80, v4, vm0, $0xb8;
	[tilespmem:$0x1C100] =	vst v63  }
0x3e: {  	s13 =	simm.s32 $0x5900  }
0x3f: {  	[tilespmem:s13], [sflag:$0x2] =	stream.indirect_vreg.gather [hbm4b:s7+s3], $0x80, v4, vm0, $0xb8;
	[tilespmem:$0x1C100] =	vst v63  }
0x40: {  	s14 =	simm.s32 $0x6100  }
0x41: {  	[tilespmem:s14], [sflag:$0x2] =	stream.indirect_vreg.gather [hbm4b:s2+s3], $0x80, v3, vm0, $0xb8;
	[tilespmem:$0x1C100] =	vst v63  }
0x42: {  	s15 =	simm.s32 $0x6900  }
0x43: {  	[tilespmem:s15], [sflag:$0x2] =	stream.indirect_vreg.gather [hbm4b:s5+s3], $0x80, v3, vm0, $0xb8;
	[tilespmem:$0x1C100] =	vst v63  }
0x44: {  	s16 =	simm.s32 $0x7100  }
0x45: {  	[tilespmem:s16], [sflag:$0x2] =	stream.indirect_vreg.gather [hbm4b:s6+s3], $0x80, v3, vm0, $0xb8;
	[tilespmem:$0x1C100] =	vst v63  }
0x46: {  	s17 =	simm.s32 $0x7900  }
0x47: {  	[tilespmem:s17], [sflag:$0x2] =	stream.indirect_vreg.gather [hbm4b:s7+s3], $0x80, v3, vm0, $0xb8;
	[tilespmem:$0x1C100] =	vst v63  }
0x48: {  	v3 =	vld [tilespmem:$0x20];
	_ =	sdelay $0x4  }
0x49: {  	v50 =	vshll.u32 v3, $0x3  }
0x4a: {  	v3 =	vand.u32 $0x7, v3;
	v4 =	vand.u32 $0xFFFFFFC0, v50  }
0x4b: {  	v3 =	vor.u32 v3, v4  }
0x4c: {  	v4 =	vperm.xlane v3, v0;
	_ =	sdelay $0x1  }
0x4d: {  	v4 =	vadd.s32 v1, v4;
	_ =	sdelay $0x3  }
0x4e: {  	s19 =	simm.s32 $0x8100  }
0x4f: {  	[tilespmem:s19], [sflag:$0x3] =	stream.indirect_vreg.gather [hbm4b:s2+s3], $0x80, v4, vm0, $0xb8;
	[tilespmem:$0x1C100] =	vst v63  }
0x50: {  	v3 =	vperm.xlane v3, v2  }
0x51: {  	[tilespmem:s28], [sflag:$0x3] =	stream.indirect_vreg.gather [hbm4b:s5+s3], $0x80, v4, vm0, $0xb8;
	[tilespmem:$0x1C100] =	vst v63  }
0x52: {  	s11 =	simm.s32 $0x9100;
	v3 =	vadd.s32 v1, v3  }
0x53: {  	[tilespmem:s11], [sflag:$0x3] =	stream.indirect_vreg.gather [hbm4b:s6+s3], $0x80, v4, vm0, $0xb8;
	[tilespmem:$0x1C100] =	vst v63  }
0x54: {  	s23 =	simm.s32 $0x9900  }
0x55: {  	[tilespmem:s23], [sflag:$0x3] =	stream.indirect_vreg.gather [hbm4b:s7+s3], $0x80, v4, vm0, $0xb8;
	[tilespmem:$0x1C100] =	vst v63  }
0x56: {  	s24 =	simm.s32 $0xA100  }
0x57: {  	[tilespmem:s24], [sflag:$0x3] =	stream.indirect_vreg.gather [hbm4b:s2+s3], $0x80, v3, vm0, $0xb8;
	[tilespmem:$0x1C100] =	vst v63  }
0x58: {  	_ = 	snop  }
0x59: {  	[tilespmem:s25], [sflag:$0x3] =	stream.indirect_vreg.gather [hbm4b:s5+s3], $0x80, v3, vm0, $0xb8;
	[tilespmem:$0x1C100] =	vst v63  }
0x5a: {  	_ = 	snop  }
0x5b: {  	[tilespmem:s26], [sflag:$0x3] =	stream.indirect_vreg.gather [hbm4b:s6+s3], $0x80, v3, vm0, $0xb8;
	[tilespmem:$0x1C100] =	vst v63  }
0x5c: {  	_ = 	snop  }
0x5d: {  	[tilespmem:s29], [sflag:$0x3] =	stream.indirect_vreg.gather [hbm4b:s7+s3], $0x80, v3, vm0, $0xb8;
	[tilespmem:$0x1C100] =	vst v63  }
0x5e: {  	v3 =	vld [tilespmem:$0x30];
	_ =	sdelay $0x4  }
0x5f: {  	v51 =	vshll.u32 v3, $0x3  }
0x60: {  	v3 =	vand.u32 $0x7, v3;
	v4 =	vand.u32 $0xFFFFFFC0, v51  }
0x61: {  	v3 =	vor.u32 v3, v4  }
0x62: {  	v4 =	vperm.xlane v3, v0;
	_ =	sdelay $0x1  }
0x63: {  	v4 =	vadd.s32 v1, v4;
	_ =	sdelay $0x3  }
0x64: {  	s20 =	simm.s32 $0xC100  }
0x65: {  	[tilespmem:s20], [sflag:$0x4] =	stream.indirect_vreg.gather [hbm4b:s2+s3], $0x80, v4, vm0, $0xb8;
	[tilespmem:$0x1C100] =	vst v63  }
0x66: {  	v3 =	vperm.xlane v3, v2;
	s20 =	simm.s32 $0xC900  }
0x67: {  	[tilespmem:s20], [sflag:$0x4] =	stream.indirect_vreg.gather [hbm4b:s5+s3], $0x80, v4, vm0, $0xb8;
	[tilespmem:$0x1C100] =	vst v63  }
0x68: {  	s13 =	simm.s32 $0xD100;
	v3 =	vadd.s32 v1, v3  }
0x69: {  	[tilespmem:s13], [sflag:$0x4] =	stream.indirect_vreg.gather [hbm4b:s6+s3], $0x80, v4, vm0, $0xb8;
	[tilespmem:$0x1C100] =	vst v63  }
0x6a: {  	s14 =	simm.s32 $0xD900  }
0x6b: {  	[tilespmem:s14], [sflag:$0x4] =	stream.indirect_vreg.gather [hbm4b:s7+s3], $0x80, v4, vm0, $0xb8;
	[tilespmem:$0x1C100] =	vst v63  }
0x6c: {  	s15 =	simm.s32 $0xE100  }
0x6d: {  	[tilespmem:s15], [sflag:$0x4] =	stream.indirect_vreg.gather [hbm4b:s2+s3], $0x80, v3, vm0, $0xb8;
	[tilespmem:$0x1C100] =	vst v63  }
0x6e: {  	s16 =	simm.s32 $0xE900  }
0x6f: {  	[tilespmem:s16], [sflag:$0x4] =	stream.indirect_vreg.gather [hbm4b:s5+s3], $0x80, v3, vm0, $0xb8;
	[tilespmem:$0x1C100] =	vst v63  }
0x70: {  	s17 =	simm.s32 $0xF100  }
0x71: {  	[tilespmem:s17], [sflag:$0x4] =	stream.indirect_vreg.gather [hbm4b:s6+s3], $0x80, v3, vm0, $0xb8;
	[tilespmem:$0x1C100] =	vst v63  }
0x72: {  	s19 =	simm.s32 $0xF900  }
0x73: {  	[tilespmem:s19], [sflag:$0x4] =	stream.indirect_vreg.gather [hbm4b:s7+s3], $0x80, v3, vm0, $0xb8;
	[tilespmem:$0x1C100] =	vst v63  }
0x74: {  	v3 =	vld [tilespmem:$0x40];
	_ =	sdelay $0x4  }
0x75: {  	v52 =	vshll.u32 v3, $0x3  }
0x76: {  	v3 =	vand.u32 $0x7, v3;
	v4 =	vand.u32 $0xFFFFFFC0, v52  }
0x77: {  	v3 =	vor.u32 v3, v4  }
0x78: {  	v4 =	vperm.xlane v3, v0;
	_ =	sdelay $0x1  }
0x79: {  	v4 =	vadd.s32 v1, v4;
	_ =	sdelay $0x3  }
0x7a: {  	s22 =	simm.s32 $0x10100  }
0x7b: {  	[tilespmem:s22], [sflag:$0x5] =	stream.indirect_vreg.gather [hbm4b:s2+s3], $0x80, v4, vm0, $0xb8;
	[tilespmem:$0x1C100] =	vst v63  }
0x7c: {  	v3 =	vperm.xlane v3, v2;
	s22 =	simm.s32 $0x10900  }
0x7d: {  	[tilespmem:s22], [sflag:$0x5] =	stream.indirect_vreg.gather [hbm4b:s5+s3], $0x80, v4, vm0, $0xb8;
	[tilespmem:$0x1C100] =	vst v63  }
0x7e: {  	v3 =	vadd.s32 v1, v3;
	s22 =	simm.s32 $0x11100  }
0x7f: {  	[tilespmem:s22], [sflag:$0x5] =	stream.indirect_vreg.gather [hbm4b:s6+s3], $0x80, v4, vm0, $0xb8;
	[tilespmem:$0x1C100] =	vst v63  }
0x80: {  	s22 =	simm.s32 $0x11900  }
0x81: {  	[tilespmem:s22], [sflag:$0x5] =	stream.indirect_vreg.gather [hbm4b:s7+s3], $0x80, v4, vm0, $0xb8;
	[tilespmem:$0x1C100] =	vst v63  }
0x82: {  	s22 =	simm.s32 $0x12100  }
0x83: {  	[tilespmem:s22], [sflag:$0x5] =	stream.indirect_vreg.gather [hbm4b:s2+s3], $0x80, v3, vm0, $0xb8;
	[tilespmem:$0x1C100] =	vst v63  }
0x84: {  	s22 =	simm.s32 $0x12900  }
0x85: {  	[tilespmem:s22], [sflag:$0x5] =	stream.indirect_vreg.gather [hbm4b:s5+s3], $0x80, v3, vm0, $0xb8;
	[tilespmem:$0x1C100] =	vst v63  }
0x86: {  	s22 =	simm.s32 $0x13100  }
0x87: {  	[tilespmem:s22], [sflag:$0x5] =	stream.indirect_vreg.gather [hbm4b:s6+s3], $0x80, v3, vm0, $0xb8;
	[tilespmem:$0x1C100] =	vst v63  }
0x88: {  	s22 =	simm.s32 $0x13900  }
0x89: {  	[tilespmem:s22], [sflag:$0x5] =	stream.indirect_vreg.gather [hbm4b:s7+s3], $0x80, v3, vm0, $0xb8;
	[tilespmem:$0x1C100] =	vst v63  }
0x8a: {  	v3 =	vld [tilespmem:$0x50];
	_ =	sdelay $0x4  }
0x8b: {  	v53 =	vshll.u32 v3, $0x3  }
0x8c: {  	v3 =	vand.u32 $0x7, v3;
	v4 =	vand.u32 $0xFFFFFFC0, v53  }
0x8d: {  	v3 =	vor.u32 v3, v4  }
0x8e: {  	v4 =	vperm.xlane v3, v0;
	_ =	sdelay $0x1  }
0x8f: {  	v4 =	vadd.s32 v1, v4;
	_ =	sdelay $0x3  }
0x90: {  	s22 =	simm.s32 $0x14100  }
0x91: {  	[tilespmem:s22], [sflag:$0x6] =	stream.indirect_vreg.gather [hbm4b:s2+s3], $0x80, v4, vm0, $0xb8;
	[tilespmem:$0x1C100] =	vst v63  }
0x92: {  	v3 =	vperm.xlane v3, v2;
	s22 =	simm.s32 $0x14900  }
0x93: {  	[tilespmem:s22], [sflag:$0x6] =	stream.indirect_vreg.gather [hbm4b:s5+s3], $0x80, v4, vm0, $0xb8;
	[tilespmem:$0x1C100] =	vst v63  }
0x94: {  	v3 =	vadd.s32 v1, v3;
	s22 =	simm.s32 $0x15100  }
0x95: {  	[tilespmem:s22], [sflag:$0x6] =	stream.indirect_vreg.gather [hbm4b:s6+s3], $0x80, v4, vm0, $0xb8;
	[tilespmem:$0x1C100] =	vst v63  }
0x96: {  	s22 =	simm.s32 $0x15900  }
0x97: {  	[tilespmem:s22], [sflag:$0x6] =	stream.indirect_vreg.gather [hbm4b:s7+s3], $0x80, v4, vm0, $0xb8;
	[tilespmem:$0x1C100] =	vst v63  }
0x98: {  	s22 =	simm.s32 $0x16100  }
0x99: {  	[tilespmem:s22], [sflag:$0x6] =	stream.indirect_vreg.gather [hbm4b:s2+s3], $0x80, v3, vm0, $0xb8;
	[tilespmem:$0x1C100] =	vst v63  }
0x9a: {  	s22 =	simm.s32 $0x16900  }
0x9b: {  	[tilespmem:s22], [sflag:$0x6] =	stream.indirect_vreg.gather [hbm4b:s5+s3], $0x80, v3, vm0, $0xb8;
	[tilespmem:$0x1C100] =	vst v63  }
0x9c: {  	s22 =	simm.s32 $0x17100  }
0x9d: {  	[tilespmem:s22], [sflag:$0x6] =	stream.indirect_vreg.gather [hbm4b:s6+s3], $0x80, v3, vm0, $0xb8;
	[tilespmem:$0x1C100] =	vst v63  }
0x9e: {  	s22 =	simm.s32 $0x17900  }
0x9f: {  	[tilespmem:s22], [sflag:$0x6] =	stream.indirect_vreg.gather [hbm4b:s7+s3], $0x80, v3, vm0, $0xb8;
	[tilespmem:$0x1C100] =	vst v63  }
0xa0: {  	v3 =	vld [tilespmem:$0x60];
	_ =	sdelay $0x4  }
0xa1: {  	v54 =	vshll.u32 v3, $0x3  }
0xa2: {  	v3 =	vand.u32 $0x7, v3;
	v4 =	vand.u32 $0xFFFFFFC0, v54  }
0xa3: {  	v3 =	vor.u32 v3, v4  }
0xa4: {  	v4 =	vperm.xlane v3, v0;
	_ =	sdelay $0x1  }
0xa5: {  	v4 =	vadd.s32 v1, v4;
	_ =	sdelay $0x4  }
0xa6: {  	[tilespmem:s12], [sflag:$0x7] =	stream.indirect_vreg.gather [hbm4b:s2+s3], $0x80, v4, vm0, $0xb8;
	[tilespmem:$0x1C100] =	vst v63  }
0xa7: {  	s22 =	simm.s32 $0x18900;
	v3 =	vperm.xlane v3, v2  }
0xa8: {  	[tilespmem:s22], [sflag:$0x7] =	stream.indirect_vreg.gather [hbm4b:s5+s3], $0x80, v4, vm0, $0xb8;
	[tilespmem:$0x1C100] =	vst v63  }
0xa9: {  	v3 =	vadd.s32 v1, v3;
	s22 =	simm.s32 $0x19100  }
0xaa: {  	[tilespmem:s22], [sflag:$0x7] =	stream.indirect_vreg.gather [hbm4b:s6+s3], $0x80, v4, vm0, $0xb8;
	[tilespmem:$0x1C100] =	vst v63  }
0xab: {  	s22 =	simm.s32 $0x19900  }
0xac: {  	[tilespmem:s22], [sflag:$0x7] =	stream.indirect_vreg.gather [hbm4b:s7+s3], $0x80, v4, vm0, $0xb8;
	[tilespmem:$0x1C100] =	vst v63  }
0xad: {  	s22 =	simm.s32 $0x1A100  }
0xae: {  	[tilespmem:s22], [sflag:$0x7] =	stream.indirect_vreg.gather [hbm4b:s2+s3], $0x80, v3, vm0, $0xb8;
	[tilespmem:$0x1C100] =	vst v63  }
0xaf: {  	s22 =	simm.s32 $0x1A900  }
0xb0: {  	[tilespmem:s22], [sflag:$0x7] =	stream.indirect_vreg.gather [hbm4b:s5+s3], $0x80, v3, vm0, $0xb8;
	[tilespmem:$0x1C100] =	vst v63  }
0xb1: {  	s22 =	simm.s32 $0x1B100  }
0xb2: {  	[tilespmem:s22], [sflag:$0x7] =	stream.indirect_vreg.gather [hbm4b:s6+s3], $0x80, v3, vm0, $0xb8;
	[tilespmem:$0x1C100] =	vst v63  }
0xb3: {  	s22 =	simm.s32 $0x1B900  }
0xb4: {  	[tilespmem:s22], [sflag:$0x7] =	stream.indirect_vreg.gather [hbm4b:s7+s3], $0x80, v3, vm0, $0xb8;
	[tilespmem:$0x1C100] =	vst v63  }
0xb5: {  	_ =	swait.ge [sflag:s31], $0x4000  }
0xb6: {  	[sflag:s31] =	ssyncset.done $0x0  }
0xb7: {  	s0 =	rddreg [dreg:$0x14];
	[sflag:s31] =	ssyncadd.s32 $0xFFFFC000  }
0xb8: {  	[hbm4b:s0+s3] =	stream.linear.scatter [tilespmem:s18], [sflag:$0x8], $0x4000, $0x38;
	[tilespmem:$0x1C100] =	vst v63  }
0xb9: {  	_ =	swait.ge [sflag:s30], $0x4000  }
0xba: {  	[sflag:s30] =	ssyncset.done $0x0  }
0xbb: {  	[sflag:s30] =	ssyncadd.s32 $0xFFFFC000  }
0xbc: {  	v3 =	vld [tilespmem:$0x70];
	_ =	sdelay $0x4  }
0xbd: {  	v55 =	vshll.u32 v3, $0x3  }
0xbe: {  	v3 =	vand.u32 $0x7, v3;
	v4 =	vand.u32 $0xFFFFFFC0, v55  }
0xbf: {  	v3 =	vor.u32 v3, v4  }
0xc0: {  	v4 =	vperm.xlane v3, v0;
	_ =	sdelay $0x1  }
0xc1: {  	v4 =	vadd.s32 v1, v4;
	_ =	sdelay $0x4  }
0xc2: {  	[tilespmem:s18], [sflag:$0x1] =	stream.indirect_vreg.gather [hbm4b:s2+s3], $0x80, v4, vm0, $0xb8;
	[tilespmem:$0x1C100] =	vst v63  }
0xc3: {  	s1 =	simm.s32 $0x900;
	v3 =	vperm.xlane v3, v2  }
0xc4: {  	[tilespmem:s1], [sflag:$0x1] =	stream.indirect_vreg.gather [hbm4b:s5+s3], $0x80, v4, vm0, $0xb8;
	[tilespmem:$0x1C100] =	vst v63  }
0xc5: {  	v3 =	vadd.s32 v1, v3;
	s1 =	simm.s32 $0x1100  }
0xc6: {  	[tilespmem:s1], [sflag:$0x1] =	stream.indirect_vreg.gather [hbm4b:s6+s3], $0x80, v4, vm0, $0xb8;
	[tilespmem:$0x1C100] =	vst v63  }
0xc7: {  	s22 =	simm.s32 $0x1900  }
0xc8: {  	[tilespmem:s22], [sflag:$0x1] =	stream.indirect_vreg.gather [hbm4b:s7+s3], $0x80, v4, vm0, $0xb8;
	[tilespmem:$0x1C100] =	vst v63  }
0xc9: {  	s1 =	simm.s32 $0x2100  }
0xca: {  	[tilespmem:s1], [sflag:$0x1] =	stream.indirect_vreg.gather [hbm4b:s2+s3], $0x80, v3, vm0, $0xb8;
	[tilespmem:$0x1C100] =	vst v63  }
0xcb: {  	s22 =	simm.s32 $0x2900  }
0xcc: {  	[tilespmem:s22], [sflag:$0x1] =	stream.indirect_vreg.gather [hbm4b:s5+s3], $0x80, v3, vm0, $0xb8;
	[tilespmem:$0x1C100] =	vst v63  }
0xcd: {  	s1 =	simm.s32 $0x3100  }
0xce: {  	[tilespmem:s1], [sflag:$0x1] =	stream.indirect_vreg.gather [hbm4b:s6+s3], $0x80, v3, vm0, $0xb8;
	[tilespmem:$0x1C100] =	vst v63  }
0xcf: {  	s21 =	simm.s32 $0x3900  }
0xd0: {  	[tilespmem:s21], [sflag:$0x1] =	stream.indirect_vreg.gather [hbm4b:s7+s3], $0x80, v3, vm0, $0xb8;
	[tilespmem:$0x1C100] =	vst v63  }
0xd1: {  	_ =	swait.ge [sflag:s4], $0x4000  }
0xd2: {  	[sflag:s4] =	ssyncset.done $0x0  }
0xd3: {  	s21 =	rddreg [dreg:$0x5];
	[sflag:s4] =	ssyncadd.s32 $0xFFFFC000  }
0xd4: {  	[hbm4b:s21+s3] =	stream.linear.scatter [tilespmem:s10], [sflag:$0x9], $0x4000, $0x38;
	[tilespmem:$0x1C100] =	vst v63  }
0xd5: {  	_ =	swait.ge [sflag:s9], $0x4000  }
0xd6: {  	[sflag:s9] =	ssyncset.done $0x0  }
0xd7: {  	[sflag:s9] =	ssyncadd.s32 $0xFFFFC000  }
0xd8: {  	v3 =	vld [tilespmem:$0x80];
	_ =	sdelay $0x4  }
0xd9: {  	v56 =	vshll.u32 v3, $0x3  }
0xda: {  	v3 =	vand.u32 $0x7, v3;
	v4 =	vand.u32 $0xFFFFFFC0, v56  }
0xdb: {  	v3 =	vor.u32 v3, v4  }
0xdc: {  	v4 =	vperm.xlane v3, v0;
	_ =	sdelay $0x1  }
0xdd: {  	v4 =	vadd.s32 v1, v4;
	_ =	sdelay $0x4  }
0xde: {  	[tilespmem:s10], [sflag:$0x2] =	stream.indirect_vreg.gather [hbm4b:s2+s3], $0x80, v4, vm0, $0xb8;
	[tilespmem:$0x1C100] =	vst v63  }
0xdf: {  	s22 =	simm.s32 $0x4900;
	v3 =	vperm.xlane v3, v2  }
0xe0: {  	[tilespmem:s22], [sflag:$0x2] =	stream.indirect_vreg.gather [hbm4b:s5+s3], $0x80, v4, vm0, $0xb8;
	[tilespmem:$0x1C100] =	vst v63  }
0xe1: {  	s1 =	simm.s32 $0x5100;
	v3 =	vadd.s32 v1, v3  }
0xe2: {  	[tilespmem:s1], [sflag:$0x2] =	stream.indirect_vreg.gather [hbm4b:s6+s3], $0x80, v4, vm0, $0xb8;
	[tilespmem:$0x1C100] =	vst v63  }
0xe3: {  	s21 =	simm.s32 $0x5900  }
0xe4: {  	[tilespmem:s21], [sflag:$0x2] =	stream.indirect_vreg.gather [hbm4b:s7+s3], $0x80, v4, vm0, $0xb8;
	[tilespmem:$0x1C100] =	vst v63  }
0xe5: {  	s22 =	simm.s32 $0x6100  }
0xe6: {  	[tilespmem:s22], [sflag:$0x2] =	stream.indirect_vreg.gather [hbm4b:s2+s3], $0x80, v3, vm0, $0xb8;
	[tilespmem:$0x1C100] =	vst v63  }
0xe7: {  	s1 =	simm.s32 $0x6900  }
0xe8: {  	[tilespmem:s1], [sflag:$0x2] =	stream.indirect_vreg.gather [hbm4b:s5+s3], $0x80, v3, vm0, $0xb8;
	[tilespmem:$0x1C100] =	vst v63  }
0xe9: {  	s21 =	simm.s32 $0x7100  }
0xea: {  	[tilespmem:s21], [sflag:$0x2] =	stream.indirect_vreg.gather [hbm4b:s6+s3], $0x80, v3, vm0, $0xb8;
	[tilespmem:$0x1C100] =	vst v63  }
0xeb: {  	s0 =	simm.s32 $0x3;
	s22 =	simm.s32 $0x7900  }
0xec: {  	[tilespmem:s22], [sflag:$0x2] =	stream.indirect_vreg.gather [hbm4b:s7+s3], $0x80, v3, vm0, $0xb8;
	[tilespmem:$0x1C100] =	vst v63  }
0xed: {  	_ =	swait.ge [sflag:s0], $0x4000  }
0xee: {  	[sflag:s0] =	ssyncset.done $0x0  }
0xef: {  	s21 =	simm.s32 $0x8100;
	s1 =	rddreg [dreg:$0x6];
	[sflag:s0] =	ssyncadd.s32 $0xFFFFC000  }
0xf0: {  	[hbm4b:s1+s3] =	stream.linear.scatter [tilespmem:s21], [sflag:$0xA], $0x4000, $0x38;
	[tilespmem:$0x1C100] =	vst v63  }
0xf1: {  	s1 =	simm.s32 $0xA  }
0xf2: {  	_ =	swait.ge [sflag:s1], $0x4000  }
0xf3: {  	[sflag:s1] =	ssyncset.done $0x0  }
0xf4: {  	[sflag:s1] =	ssyncadd.s32 $0xFFFFC000  }
0xf5: {  	v3 =	vld [tilespmem:$0x90];
	_ =	sdelay $0x4  }
0xf6: {  	v57 =	vshll.u32 v3, $0x3  }
0xf7: {  	v3 =	vand.u32 $0x7, v3;
	v4 =	vand.u32 $0xFFFFFFC0, v57  }
0xf8: {  	v3 =	vor.u32 v3, v4  }
0xf9: {  	v4 =	vperm.xlane v3, v0;
	_ =	sdelay $0x1  }
0xfa: {  	v4 =	vadd.s32 v1, v4;
	_ =	sdelay $0x4  }
0xfb: {  	[tilespmem:s21], [sflag:$0x3] =	stream.indirect_vreg.gather [hbm4b:s2+s3], $0x80, v4, vm0, $0xb8;
	[tilespmem:$0x1C100] =	vst v63  }
0xfc: {  	v3 =	vperm.xlane v3, v2  }
0xfd: {  	[tilespmem:s28], [sflag:$0x3] =	stream.indirect_vreg.gather [hbm4b:s5+s3], $0x80, v4, vm0, $0xb8;
	[tilespmem:$0x1C100] =	vst v63  }
0xfe: {  	v3 =	vadd.s32 v1, v3  }
0xff: {  	[tilespmem:s11], [sflag:$0x3] =	stream.indirect_vreg.gather [hbm4b:s6+s3], $0x80, v4, vm0, $0xb8;
	[tilespmem:$0x1C100] =	vst v63  }
0x100: {  	_ = 	snop  }
0x101: {  	[tilespmem:s23], [sflag:$0x3] =	stream.indirect_vreg.gather [hbm4b:s7+s3], $0x80, v4, vm0, $0xb8;
	[tilespmem:$0x1C100] =	vst v63  }
0x102: {  	_ = 	snop  }
0x103: {  	[tilespmem:s24], [sflag:$0x3] =	stream.indirect_vreg.gather [hbm4b:s2+s3], $0x80, v3, vm0, $0xb8;
	[tilespmem:$0x1C100] =	vst v63  }
0x104: {  	_ = 	snop  }
0x105: {  	[tilespmem:s25], [sflag:$0x3] =	stream.indirect_vreg.gather [hbm4b:s5+s3], $0x80, v3, vm0, $0xb8;
	[tilespmem:$0x1C100] =	vst v63  }
0x106: {  	_ = 	snop  }
0x107: {  	[tilespmem:s26], [sflag:$0x3] =	stream.indirect_vreg.gather [hbm4b:s6+s3], $0x80, v3, vm0, $0xb8;
	[tilespmem:$0x1C100] =	vst v63  }
0x108: {  	s11 =	simm.s32 $0x4  }
0x109: {  	[tilespmem:s29], [sflag:$0x3] =	stream.indirect_vreg.gather [hbm4b:s7+s3], $0x80, v3, vm0, $0xb8;
	[tilespmem:$0x1C100] =	vst v63  }
0x10a: {  	_ =	swait.ge [sflag:s11], $0x4000  }
0x10b: {  	[sflag:s11] =	ssyncset.done $0x0  }
0x10c: {  	s24 =	simm.s32 $0xC100;
	s23 =	rddreg [dreg:$0x7];
	[sflag:s11] =	ssyncadd.s32 $0xFFFFC000  }
0x10d: {  	[hbm4b:s23+s3] =	stream.linear.scatter [tilespmem:s24], [sflag:$0xB], $0x4000, $0x38;
	[tilespmem:$0x1C100] =	vst v63  }
0x10e: {  	s23 =	simm.s32 $0xB  }
0x10f: {  	_ =	swait.ge [sflag:s23], $0x4000  }
0x110: {  	[sflag:s23] =	ssyncset.done $0x0  }
0x111: {  	[sflag:s23] =	ssyncadd.s32 $0xFFFFC000  }
0x112: {  	v3 =	vld [tilespmem:$0xA0];
	_ =	sdelay $0x4  }
0x113: {  	v58 =	vshll.u32 v3, $0x3  }
0x114: {  	v3 =	vand.u32 $0x7, v3;
	v4 =	vand.u32 $0xFFFFFFC0, v58  }
0x115: {  	v3 =	vor.u32 v3, v4  }
0x116: {  	v4 =	vperm.xlane v3, v0;
	_ =	sdelay $0x1  }
0x117: {  	v4 =	vadd.s32 v1, v4;
	_ =	sdelay $0x4  }
0x118: {  	[tilespmem:s24], [sflag:$0x4] =	stream.indirect_vreg.gather [hbm4b:s2+s3], $0x80, v4, vm0, $0xb8;
	[tilespmem:$0x1C100] =	vst v63  }
0x119: {  	v3 =	vperm.xlane v3, v2  }
0x11a: {  	[tilespmem:s20], [sflag:$0x4] =	stream.indirect_vreg.gather [hbm4b:s5+s3], $0x80, v4, vm0, $0xb8;
	[tilespmem:$0x1C100] =	vst v63  }
0x11b: {  	v3 =	vadd.s32 v1, v3  }
0x11c: {  	[tilespmem:s13], [sflag:$0x4] =	stream.indirect_vreg.gather [hbm4b:s6+s3], $0x80, v4, vm0, $0xb8;
	[tilespmem:$0x1C100] =	vst v63  }
0x11d: {  	_ = 	snop  }
0x11e: {  	[tilespmem:s14], [sflag:$0x4] =	stream.indirect_vreg.gather [hbm4b:s7+s3], $0x80, v4, vm0, $0xb8;
	[tilespmem:$0x1C100] =	vst v63  }
0x11f: {  	_ = 	snop  }
0x120: {  	[tilespmem:s15], [sflag:$0x4] =	stream.indirect_vreg.gather [hbm4b:s2+s3], $0x80, v3, vm0, $0xb8;
	[tilespmem:$0x1C100] =	vst v63  }
0x121: {  	_ = 	snop  }
0x122: {  	[tilespmem:s16], [sflag:$0x4] =	stream.indirect_vreg.gather [hbm4b:s5+s3], $0x80, v3, vm0, $0xb8;
	[tilespmem:$0x1C100] =	vst v63  }
0x123: {  	_ = 	snop  }
0x124: {  	[tilespmem:s17], [sflag:$0x4] =	stream.indirect_vreg.gather [hbm4b:s6+s3], $0x80, v3, vm0, $0xb8;
	[tilespmem:$0x1C100] =	vst v63  }
0x125: {  	s13 =	simm.s32 $0x5  }
0x126: {  	[tilespmem:s19], [sflag:$0x4] =	stream.indirect_vreg.gather [hbm4b:s7+s3], $0x80, v3, vm0, $0xb8;
	[tilespmem:$0x1C100] =	vst v63  }
0x127: {  	_ =	swait.ge [sflag:s13], $0x4000  }
0x128: {  	s20 =	simm.s32 $0x10100;
	[sflag:s13] =	ssyncset.done $0x0  }
0x129: {  	s14 =	simm.s32 $0xC;
	s19 =	rddreg [dreg:$0x8];
	[sflag:s13] =	ssyncadd.s32 $0xFFFFC000  }
0x12a: {  	[hbm4b:s19+s3] =	stream.linear.scatter [tilespmem:s20], [sflag:$0xC], $0x4000, $0x38;
	[tilespmem:$0x1C100] =	vst v63  }
0x12b: {  	_ =	swait.ge [sflag:s14], $0x4000  }
0x12c: {  	[sflag:s14] =	ssyncset.done $0x0  }
0x12d: {  	[sflag:s14] =	ssyncadd.s32 $0xFFFFC000  }
0x12e: {  	v3 =	vld [tilespmem:$0xB0];
	_ =	sdelay $0x4  }
0x12f: {  	v59 =	vshll.u32 v3, $0x3  }
0x130: {  	v3 =	vand.u32 $0x7, v3;
	v4 =	vand.u32 $0xFFFFFFC0, v59  }
0x131: {  	v3 =	vor.u32 v3, v4  }
0x132: {  	v4 =	vperm.xlane v3, v0;
	_ =	sdelay $0x1  }
0x133: {  	v4 =	vadd.s32 v1, v4;
	_ =	sdelay $0x4  }
0x134: {  	[tilespmem:s20], [sflag:$0x5] =	stream.indirect_vreg.gather [hbm4b:s2+s3], $0x80, v4, vm0, $0xb8;
	[tilespmem:$0x1C100] =	vst v63  }
0x135: {  	s24 =	simm.s32 $0x10900;
	v3 =	vperm.xlane v3, v2  }
0x136: {  	[tilespmem:s24], [sflag:$0x5] =	stream.indirect_vreg.gather [hbm4b:s5+s3], $0x80, v4, vm0, $0xb8;
	[tilespmem:$0x1C100] =	vst v63  }
0x137: {  	s16 =	simm.s32 $0x11100;
	v3 =	vadd.s32 v1, v3  }
0x138: {  	[tilespmem:s16], [sflag:$0x5] =	stream.indirect_vreg.gather [hbm4b:s6+s3], $0x80, v4, vm0, $0xb8;
	[tilespmem:$0x1C100] =	vst v63  }
0x139: {  	s17 =	simm.s32 $0x11900  }
0x13a: {  	[tilespmem:s17], [sflag:$0x5] =	stream.indirect_vreg.gather [hbm4b:s7+s3], $0x80, v4, vm0, $0xb8;
	[tilespmem:$0x1C100] =	vst v63  }
0x13b: {  	s19 =	simm.s32 $0x12100  }
0x13c: {  	[tilespmem:s19], [sflag:$0x5] =	stream.indirect_vreg.gather [hbm4b:s2+s3], $0x80, v3, vm0, $0xb8;
	[tilespmem:$0x1C100] =	vst v63  }
0x13d: {  	s22 =	simm.s32 $0x12900  }
0x13e: {  	[tilespmem:s22], [sflag:$0x5] =	stream.indirect_vreg.gather [hbm4b:s5+s3], $0x80, v3, vm0, $0xb8;
	[tilespmem:$0x1C100] =	vst v63  }
0x13f: {  	s24 =	simm.s32 $0x13100  }
0x140: {  	[tilespmem:s24], [sflag:$0x5] =	stream.indirect_vreg.gather [hbm4b:s6+s3], $0x80, v3, vm0, $0xb8;
	[tilespmem:$0x1C100] =	vst v63  }
0x141: {  	s15 =	simm.s32 $0x6;
	s16 =	simm.s32 $0x13900  }
0x142: {  	[tilespmem:s16], [sflag:$0x5] =	stream.indirect_vreg.gather [hbm4b:s7+s3], $0x80, v3, vm0, $0xb8;
	[tilespmem:$0x1C100] =	vst v63  }
0x143: {  	_ =	swait.ge [sflag:s15], $0x4000  }
0x144: {  	s19 =	simm.s32 $0x14100;
	[sflag:s15] =	ssyncset.done $0x0  }
0x145: {  	s16 =	simm.s32 $0xD;
	s17 =	rddreg [dreg:$0x9];
	[sflag:s15] =	ssyncadd.s32 $0xFFFFC000  }
0x146: {  	[hbm4b:s17+s3] =	stream.linear.scatter [tilespmem:s19], [sflag:$0xD], $0x4000, $0x38;
	[tilespmem:$0x1C100] =	vst v63  }
0x147: {  	_ =	swait.ge [sflag:s16], $0x4000  }
0x148: {  	[sflag:s16] =	ssyncset.done $0x0  }
0x149: {  	[sflag:s16] =	ssyncadd.s32 $0xFFFFC000  }
0x14a: {  	v3 =	vld [tilespmem:$0xC0];
	_ =	sdelay $0x4  }
0x14b: {  	v60 =	vshll.u32 v3, $0x3  }
0x14c: {  	v3 =	vand.u32 $0x7, v3;
	v4 =	vand.u32 $0xFFFFFFC0, v60  }
0x14d: {  	v3 =	vor.u32 v3, v4  }
0x14e: {  	v4 =	vperm.xlane v3, v0;
	_ =	sdelay $0x1  }
0x14f: {  	v4 =	vadd.s32 v1, v4;
	_ =	sdelay $0x4  }
0x150: {  	[tilespmem:s19], [sflag:$0x6] =	stream.indirect_vreg.gather [hbm4b:s2+s3], $0x80, v4, vm0, $0xb8;
	[tilespmem:$0x1C100] =	vst v63  }
0x151: {  	s22 =	simm.s32 $0x14900;
	v3 =	vperm.xlane v3, v2  }
0x152: {  	[tilespmem:s22], [sflag:$0x6] =	stream.indirect_vreg.gather [hbm4b:s5+s3], $0x80, v4, vm0, $0xb8;
	[tilespmem:$0x1C100] =	vst v63  }
0x153: {  	v3 =	vadd.s32 v1, v3;
	s19 =	simm.s32 $0x15100  }
0x154: {  	[tilespmem:s19], [sflag:$0x6] =	stream.indirect_vreg.gather [hbm4b:s6+s3], $0x80, v4, vm0, $0xb8;
	[tilespmem:$0x1C100] =	vst v63  }
0x155: {  	s22 =	simm.s32 $0x15900  }
0x156: {  	[tilespmem:s22], [sflag:$0x6] =	stream.indirect_vreg.gather [hbm4b:s7+s3], $0x80, v4, vm0, $0xb8;
	[tilespmem:$0x1C100] =	vst v63  }
0x157: {  	s19 =	simm.s32 $0x16100  }
0x158: {  	[tilespmem:s19], [sflag:$0x6] =	stream.indirect_vreg.gather [hbm4b:s2+s3], $0x80, v3, vm0, $0xb8;
	[tilespmem:$0x1C100] =	vst v63  }
0x159: {  	s22 =	simm.s32 $0x16900  }
0x15a: {  	[tilespmem:s22], [sflag:$0x6] =	stream.indirect_vreg.gather [hbm4b:s5+s3], $0x80, v3, vm0, $0xb8;
	[tilespmem:$0x1C100] =	vst v63  }
0x15b: {  	s19 =	simm.s32 $0x17100  }
0x15c: {  	[tilespmem:s19], [sflag:$0x6] =	stream.indirect_vreg.gather [hbm4b:s6+s3], $0x80, v3, vm0, $0xb8;
	[tilespmem:$0x1C100] =	vst v63  }
0x15d: {  	s17 =	simm.s32 $0x7;
	s22 =	simm.s32 $0x17900  }
0x15e: {  	[tilespmem:s22], [sflag:$0x6] =	stream.indirect_vreg.gather [hbm4b:s7+s3], $0x80, v3, vm0, $0xb8;
	[tilespmem:$0x1C100] =	vst v63  }
0x15f: {  	_ =	swait.ge [sflag:s17], $0x4000  }
0x160: {  	[sflag:s17] =	ssyncset.done $0x0  }
0x161: {  	s19 =	rddreg [dreg:$0xa];
	[sflag:s17] =	ssyncadd.s32 $0xFFFFC000  }
0x162: {  	[hbm4b:s19+s3] =	stream.linear.scatter [tilespmem:s12], [sflag:$0xE], $0x4000, $0x38;
	[tilespmem:$0x1C100] =	vst v63  }
0x163: {  	s19 =	simm.s32 $0xE  }
0x164: {  	_ =	swait.ge [sflag:s19], $0x4000  }
0x165: {  	[sflag:s19] =	ssyncset.done $0x0  }
0x166: {  	[sflag:s19] =	ssyncadd.s32 $0xFFFFC000  }
0x167: {  	v3 =	vld [tilespmem:$0xD0];
	_ =	sdelay $0x4  }
0x168: {  	v61 =	vshll.u32 v3, $0x3  }
0x169: {  	v3 =	vand.u32 $0x7, v3;
	v4 =	vand.u32 $0xFFFFFFC0, v61  }
0x16a: {  	v3 =	vor.u32 v3, v4  }
0x16b: {  	v4 =	vperm.xlane v3, v0;
	_ =	sdelay $0x1  }
0x16c: {  	v4 =	vadd.s32 v1, v4;
	_ =	sdelay $0x4  }
0x16d: {  	[tilespmem:s12], [sflag:$0x7] =	stream.indirect_vreg.gather [hbm4b:s2+s3], $0x80, v4, vm0, $0xb8;
	[tilespmem:$0x1C100] =	vst v63  }
0x16e: {  	s22 =	simm.s32 $0x18900;
	v3 =	vperm.xlane v3, v2  }
0x16f: {  	[tilespmem:s22], [sflag:$0x7] =	stream.indirect_vreg.gather [hbm4b:s5+s3], $0x80, v4, vm0, $0xb8;
	[tilespmem:$0x1C100] =	vst v63  }
0x170: {  	v3 =	vadd.s32 v1, v3;
	s22 =	simm.s32 $0x19100  }
0x171: {  	[tilespmem:s22], [sflag:$0x7] =	stream.indirect_vreg.gather [hbm4b:s6+s3], $0x80, v4, vm0, $0xb8;
	[tilespmem:$0x1C100] =	vst v63  }
0x172: {  	s22 =	simm.s32 $0x19900  }
0x173: {  	[tilespmem:s22], [sflag:$0x7] =	stream.indirect_vreg.gather [hbm4b:s7+s3], $0x80, v4, vm0, $0xb8;
	[tilespmem:$0x1C100] =	vst v63  }
0x174: {  	s22 =	simm.s32 $0x1A100  }
0x175: {  	[tilespmem:s22], [sflag:$0x7] =	stream.indirect_vreg.gather [hbm4b:s2+s3], $0x80, v3, vm0, $0xb8;
	[tilespmem:$0x1C100] =	vst v63  }
0x176: {  	s22 =	simm.s32 $0x1A900  }
0x177: {  	[tilespmem:s22], [sflag:$0x7] =	stream.indirect_vreg.gather [hbm4b:s5+s3], $0x80, v3, vm0, $0xb8;
	[tilespmem:$0x1C100] =	vst v63  }
0x178: {  	s22 =	simm.s32 $0x1B100  }
0x179: {  	[tilespmem:s22], [sflag:$0x7] =	stream.indirect_vreg.gather [hbm4b:s6+s3], $0x80, v3, vm0, $0xb8;
	[tilespmem:$0x1C100] =	vst v63  }
0x17a: {  	s22 =	simm.s32 $0x1B900  }
0x17b: {  	[tilespmem:s22], [sflag:$0x7] =	stream.indirect_vreg.gather [hbm4b:s7+s3], $0x80, v3, vm0, $0xb8;
	[tilespmem:$0x1C100] =	vst v63  }
0x17c: {  	_ =	swait.ge [sflag:s31], $0x4000  }
0x17d: {  	[sflag:s31] =	ssyncset.done $0x0  }
0x17e: {  	s22 =	rddreg [dreg:$0xb];
	[sflag:s31] =	ssyncadd.s32 $0xFFFFC000  }
0x17f: {  	[hbm4b:s22+s3] =	stream.linear.scatter [tilespmem:s18], [sflag:$0x8], $0x4000, $0x38;
	[tilespmem:$0x1C100] =	vst v63  }
0x180: {  	_ =	swait.ge [sflag:s30], $0x4000  }
0x181: {  	[sflag:s30] =	ssyncset.done $0x0  }
0x182: {  	[sflag:s30] =	ssyncadd.s32 $0xFFFFC000  }
0x183: {  	v3 =	vld [tilespmem:$0xE0];
	_ =	sdelay $0x4  }
0x184: {  	v62 =	vshll.u32 v3, $0x3  }
0x185: {  	v3 =	vand.u32 $0x7, v3;
	v4 =	vand.u32 $0xFFFFFFC0, v62  }
0x186: {  	v3 =	vor.u32 v3, v4  }
0x187: {  	v4 =	vperm.xlane v3, v0;
	_ =	sdelay $0x1  }
0x188: {  	v4 =	vadd.s32 v1, v4;
	_ =	sdelay $0x4  }
0x189: {  	[tilespmem:s18], [sflag:$0x1] =	stream.indirect_vreg.gather [hbm4b:s2+s3], $0x80, v4, vm0, $0xb8;
	[tilespmem:$0x1C100] =	vst v63  }
0x18a: {  	s22 =	simm.s32 $0x900;
	v3 =	vperm.xlane v3, v2  }
0x18b: {  	[tilespmem:s22], [sflag:$0x1] =	stream.indirect_vreg.gather [hbm4b:s5+s3], $0x80, v4, vm0, $0xb8;
	[tilespmem:$0x1C100] =	vst v63  }
0x18c: {  	v3 =	vadd.s32 v1, v3;
	s22 =	simm.s32 $0x1100  }
0x18d: {  	[tilespmem:s22], [sflag:$0x1] =	stream.indirect_vreg.gather [hbm4b:s6+s3], $0x80, v4, vm0, $0xb8;
	[tilespmem:$0x1C100] =	vst v63  }
0x18e: {  	s22 =	simm.s32 $0x1900  }
0x18f: {  	[tilespmem:s22], [sflag:$0x1] =	stream.indirect_vreg.gather [hbm4b:s7+s3], $0x80, v4, vm0, $0xb8;
	[tilespmem:$0x1C100] =	vst v63  }
0x190: {  	s22 =	simm.s32 $0x2100  }
0x191: {  	[tilespmem:s22], [sflag:$0x1] =	stream.indirect_vreg.gather [hbm4b:s2+s3], $0x80, v3, vm0, $0xb8;
	[tilespmem:$0x1C100] =	vst v63  }
0x192: {  	s22 =	simm.s32 $0x2900  }
0x193: {  	[tilespmem:s22], [sflag:$0x1] =	stream.indirect_vreg.gather [hbm4b:s5+s3], $0x80, v3, vm0, $0xb8;
	[tilespmem:$0x1C100] =	vst v63  }
0x194: {  	s22 =	simm.s32 $0x3100  }
0x195: {  	[tilespmem:s22], [sflag:$0x1] =	stream.indirect_vreg.gather [hbm4b:s6+s3], $0x80, v3, vm0, $0xb8;
	[tilespmem:$0x1C100] =	vst v63  }
0x196: {  	s22 =	simm.s32 $0x3900  }
0x197: {  	[tilespmem:s22], [sflag:$0x1] =	stream.indirect_vreg.gather [hbm4b:s7+s3], $0x80, v3, vm0, $0xb8;
	[tilespmem:$0x1C100] =	vst v63  }
0x198: {  	_ =	swait.ge [sflag:s4], $0x4000  }
0x199: {  	[sflag:s4] =	ssyncset.done $0x0  }
0x19a: {  	s22 =	rddreg [dreg:$0xc];
	[sflag:s4] =	ssyncadd.s32 $0xFFFFC000  }
0x19b: {  	[hbm4b:s22+s3] =	stream.linear.scatter [tilespmem:s10], [sflag:$0x9], $0x4000, $0x38;
	[tilespmem:$0x1C100] =	vst v63  }
0x19c: {  	_ =	swait.ge [sflag:s9], $0x4000  }
0x19d: {  	[sflag:s9] =	ssyncset.done $0x0  }
0x19e: {  	[sflag:s9] =	ssyncadd.s32 $0xFFFFC000  }
0x19f: {  	v3 =	vld [tilespmem:$0xF0];
	_ =	sdelay $0x4  }
0x1a0: {  	v63 =	vshll.u32 v3, $0x3  }
0x1a1: {  	v3 =	vand.u32 $0x7, v3;
	v4 =	vand.u32 $0xFFFFFFC0, v63  }
0x1a2: {  	v3 =	vor.u32 v3, v4  }
0x1a3: {  	v4 =	vperm.xlane v3, v0;
	_ =	sdelay $0x1  }
0x1a4: {  	v4 =	vadd.s32 v1, v4;
	_ =	sdelay $0x4  }
0x1a5: {  	[tilespmem:s10], [sflag:$0x2] =	stream.indirect_vreg.gather [hbm4b:s2+s3], $0x80, v4, vm0, $0xb8;
	[tilespmem:$0x1C100] =	vst v63  }
0x1a6: {  	s22 =	simm.s32 $0x4900;
	v3 =	vperm.xlane v3, v2  }
0x1a7: {  	[tilespmem:s22], [sflag:$0x2] =	stream.indirect_vreg.gather [hbm4b:s5+s3], $0x80, v4, vm0, $0xb8;
	[tilespmem:$0x1C100] =	vst v63  }
0x1a8: {  	v3 =	vadd.s32 v1, v3;
	s22 =	simm.s32 $0x5100  }
0x1a9: {  	[tilespmem:s22], [sflag:$0x2] =	stream.indirect_vreg.gather [hbm4b:s6+s3], $0x80, v4, vm0, $0xb8;
	[tilespmem:$0x1C100] =	vst v63  }
0x1aa: {  	s22 =	simm.s32 $0x5900  }
0x1ab: {  	[tilespmem:s22], [sflag:$0x2] =	stream.indirect_vreg.gather [hbm4b:s7+s3], $0x80, v4, vm0, $0xb8;
	[tilespmem:$0x1C100] =	vst v63  }
0x1ac: {  	s22 =	simm.s32 $0x6100  }
0x1ad: {  	[tilespmem:s22], [sflag:$0x2] =	stream.indirect_vreg.gather [hbm4b:s2+s3], $0x80, v3, vm0, $0xb8;
	[tilespmem:$0x1C100] =	vst v63  }
0x1ae: {  	s22 =	simm.s32 $0x6900  }
0x1af: {  	[tilespmem:s22], [sflag:$0x2] =	stream.indirect_vreg.gather [hbm4b:s5+s3], $0x80, v3, vm0, $0xb8;
	[tilespmem:$0x1C100] =	vst v63  }
0x1b0: {  	s22 =	simm.s32 $0x7100  }
0x1b1: {  	[tilespmem:s22], [sflag:$0x2] =	stream.indirect_vreg.gather [hbm4b:s6+s3], $0x80, v3, vm0, $0xb8;
	[tilespmem:$0x1C100] =	vst v63  }
0x1b2: {  	s22 =	simm.s32 $0x7900  }
0x1b3: {  	[tilespmem:s22], [sflag:$0x2] =	stream.indirect_vreg.gather [hbm4b:s7+s3], $0x80, v3, vm0, $0xb8;
	[tilespmem:$0x1C100] =	vst v63  }
0x1b4: {  	_ =	swait.ge [sflag:s0], $0x4000  }
0x1b5: {  	[sflag:s0] =	ssyncset.done $0x0  }
0x1b6: {  	s22 =	rddreg [dreg:$0xd];
	[sflag:s0] =	ssyncadd.s32 $0xFFFFC000;
	s0 =	simm.s32 $0x8100  }
0x1b7: {  	[hbm4b:s22+s3] =	stream.linear.scatter [tilespmem:s0], [sflag:$0xA], $0x4000, $0x38;
	[tilespmem:$0x1C100] =	vst v63  }
0x1b8: {  	_ =	swait.ge [sflag:s11], $0x4000  }
0x1b9: {  	[sflag:s11] =	ssyncset.done $0x0  }
0x1ba: {  	s21 =	simm.s32 $0xC100;
	s0 =	rddreg [dreg:$0xe];
	[sflag:s11] =	ssyncadd.s32 $0xFFFFC000  }
0x1bb: {  	[hbm4b:s0+s3] =	stream.linear.scatter [tilespmem:s21], [sflag:$0xB], $0x4000, $0x38;
	[tilespmem:$0x1C100] =	vst v63  }
0x1bc: {  	_ =	swait.ge [sflag:s13], $0x4000  }
0x1bd: {  	[sflag:s13] =	ssyncset.done $0x0  }
0x1be: {  	s20 =	simm.s32 $0x10100;
	s11 =	rddreg [dreg:$0xf];
	[sflag:s13] =	ssyncadd.s32 $0xFFFFC000  }
0x1bf: {  	[hbm4b:s11+s3] =	stream.linear.scatter [tilespmem:s20], [sflag:$0xC], $0x4000, $0x38;
	[tilespmem:$0x1C100] =	vst v63  }
0x1c0: {  	_ =	swait.ge [sflag:s15], $0x4000  }
0x1c1: {  	[sflag:s15] =	ssyncset.done $0x0  }
0x1c2: {  	s24 =	simm.s32 $0x14100;
	s13 =	rddreg [dreg:$0x10];
	[sflag:s15] =	ssyncadd.s32 $0xFFFFC000  }
0x1c3: {  	[hbm4b:s13+s3] =	stream.linear.scatter [tilespmem:s24], [sflag:$0xD], $0x4000, $0x38;
	[tilespmem:$0x1C100] =	vst v63  }
0x1c4: {  	_ =	swait.ge [sflag:s17], $0x4000  }
0x1c5: {  	[sflag:s17] =	ssyncset.done $0x0  }
0x1c6: {  	s20 =	rddreg [dreg:$0x11];
	[sflag:s17] =	ssyncadd.s32 $0xFFFFC000  }
0x1c7: {  	[hbm4b:s20+s3] =	stream.linear.scatter [tilespmem:s12], [sflag:$0xE], $0x4000, $0x38;
	[tilespmem:$0x1C100] =	vst v63  }
0x1c8: {  	_ =	swait.ge [sflag:s31], $0x4000  }
0x1c9: {  	[sflag:s31] =	ssyncset.done $0x0  }
0x1ca: {  	s21 =	rddreg [dreg:$0x12];
	[sflag:s31] =	ssyncadd.s32 $0xFFFFC000  }
0x1cb: {  	[hbm4b:s21+s3] =	stream.linear.scatter [tilespmem:s18], [sflag:$0x8], $0x4000, $0x38;
	[tilespmem:$0x1C100] =	vst v63  }
0x1cc: {  	_ =	swait.ge [sflag:s4], $0x4000  }
0x1cd: {  	[sflag:s4] =	ssyncset.done $0x0  }
0x1ce: {  	s24 =	rddreg [dreg:$0x13];
	[sflag:s4] =	ssyncadd.s32 $0xFFFFC000  }
0x1cf: {  	[hbm4b:s24+s3] =	stream.linear.scatter [tilespmem:s10], [sflag:$0x9], $0x4000, $0x38;
	[tilespmem:$0x1C100] =	vst v63  }
0x1d0: {  	_ =	swait.ge [sflag:s1], $0x4000  }
0x1d1: {  	[sflag:s1] =	ssyncset.done $0x0  }
0x1d2: {  	[sflag:s1] =	ssyncadd.s32 $0xFFFFC000  }
0x1d3: {  	_ =	swait.ge [sflag:s23], $0x4000  }
0x1d4: {  	[sflag:s23] =	ssyncset.done $0x0  }
0x1d5: {  	[sflag:s23] =	ssyncadd.s32 $0xFFFFC000  }
0x1d6: {  	_ =	swait.ge [sflag:s14], $0x4000  }
0x1d7: {  	[sflag:s14] =	ssyncset.done $0x0  }
0x1d8: {  	[sflag:s14] =	ssyncadd.s32 $0xFFFFC000  }
0x1d9: {  	_ =	swait.ge [sflag:s16], $0x4000  }
0x1da: {  	[sflag:s16] =	ssyncset.done $0x0  }
0x1db: {  	[sflag:s16] =	ssyncadd.s32 $0xFFFFC000  }
0x1dc: {  	_ =	swait.ge [sflag:s19], $0x4000  }
0x1dd: {  	[sflag:s19] =	ssyncset.done $0x0  }
0x1de: {  	[sflag:s19] =	ssyncadd.s32 $0xFFFFC000  }
0x1df: {  	p0 =	sne.s32 s8, $0x1;
	_ =	swait.ge [sflag:s30], $0x4000  }
.Ltmp0:
0x1e0: {  	[sflag:s30] =	ssyncset.done $0x0;
	(pc) =	sbr.rel @p0 .LBB2_1-.Ltmp0, $4  }
0x1e1: {  	[sflag:s30] =	ssyncadd.s32 $0xFFFFC000  }
0x1e2: {  	_ =	swait.ge [sflag:s9], $0x4000  }
0x1e3: {  	[sflag:s9] =	ssyncset.done $0x0  }
0x1e4: {  	s8 =	sadd.s32 $0xFFFFFFFF, s8;
	[sflag:s9] =	ssyncadd.s32 $0xFFFFC000  }
0x1e5: {  	_ =	sfence.sel $0x180000  }
0x1e6: {  	[bflag:$0x0] =	sbarrier.arrive $0xFFFF  }
0x1e7: {  	_ =	strace $0x90000047  }
0x1e8: {  	s0 =	stileid.u32;
	[bflag:$0x2] =	sbarrier.arrive $0xFFFF  }
0x1e9: {  	p0 =	sne.s32 s0, $0x0;
	s0 =	rddreg [dreg:$0x3]  }
0x1ea: {  	s0 =	sadd.s32 @!p0 $0x100000, s0  }
0x1eb: {  	[sflag:s0] =	ssyncadd.tile.s32 @!p0 $0x1;
	_ =	shalt  }
.Lfunc_end2:
_tile_overlayer_lowered:
.L_overlay_start_2:
0x1ec: {  	(tag) =	ssettag $0x2  }
0x1ed: {  	s0 =	rddreg [dreg:$0x0];
	s2 =	stileid.u32  }
0x1ee: {  	s1 =	rddreg [dreg:$0x1];
	p0 =	sne.s32 s2, $0x0  }
0x1ef: {  	s3 =	rddreg [dreg:$0x2];
	[bflag:$0x3] =	sbarrier.arrive $0xFFFF;
	s2 =	simm.s32 @!p0 $0x1C0F  }
0x1f0: {  	[timem:s3], [sflag:s2] =	dma.local @!p0 [hbm:s0], s1  }
0x1f1: {  	s0 =	simm.s32 @!p0 $0xF  }
0x1f2: {  	_ =	swait.ge @!p0 [sflag:s0], s1  }
0x1f3: {  	s1 =	ssub.s32 @!p0 $0x0, s1;
	[sflag:s0] =	ssyncset.done @!p0 $0x0  }
0x1f4: {  	[sflag:s0] =	ssyncadd.s32 @!p0 s1  }
0x1f5: {  	[bflag:$0x3] =	sbarrier.arrive $0xFFFF  }
0x1f6: {  	_ =	shalt  }

</sc_bundles>
